<compile_context>
chip_gen: v7x
topology: tpu7x:2x2x1
jax: 0.10.2.dev20260603
libtpu: 0.0.44.dev20260713+nightly
codegen_flags: <defaults>
</compile_context>

<pallas_src>
import functools

import jax
import jax.numpy as jnp
import numpy as np
from jax.experimental import pallas as pl
from jax.experimental.pallas import tpu as pltpu
from jax.experimental.pallas import tpu_sc as plsc

T = 256
D = 1024
H = 16
KV = 4
HD = 64
E = 16
FF = 768
EPS = 1e-06
THETA = 1000000.0

_HALF = HD // 2


def _rms(x, w):
    return x * jax.lax.rsqrt(jnp.mean(x * x, axis=-1, keepdims=True) + EPS) * w


def _attn_body(x_ref, posf_ref, ln1_ref, wqkv_ref, qn_ref, kn_ref, wo_ref,
               ln2_ref, wgt_ref, hidden_ref, h2_ref, logits_ref):
    x = x_ref[...]
    xn = _rms(x, ln1_ref[...])
    qkv = jnp.dot(xn, wqkv_ref[...], preferred_element_type=jnp.float32)

    ng = H + KV
    nqk = (H + 2 * KV) * HD
    gsel = (jax.lax.broadcasted_iota(jnp.int32, (nqk, ng), 0) // HD
            == jax.lax.broadcasted_iota(jnp.int32, (nqk, ng), 1)
            ).astype(jnp.float32)
    ssq = jax.lax.dot_general(qkv * qkv, gsel, (((1,), (0,)), ((), ())),
                              preferred_element_type=jnp.float32)
    rs = jax.lax.rsqrt(ssq * jnp.float32(1.0 / HD) + EPS)
    wn = jnp.concatenate([qn_ref[...]] * H + [kn_ref[...]] * KV, axis=1)
    qkvn = qkv[:, :ng * HD] * wn

    pos = posf_ref[...]
    fi = jax.lax.broadcasted_iota(jnp.int32, (1, _HALF), 1).astype(jnp.float32)
    inv_freq = jnp.exp(fi * jnp.float32(-np.log(THETA) / _HALF))
    freqs = pos * inv_freq
    cos = jnp.cos(freqs)
    sin = jnp.sin(freqs)

    def rope(t):
        t1 = t[:, :_HALF]
        t2 = t[:, _HALF:]
        return jnp.concatenate([t1 * cos - t2 * sin, t2 * cos + t1 * sin], axis=1)

    row = jax.lax.broadcasted_iota(jnp.int32, (T, T), 0)
    col = jax.lax.broadcasted_iota(jnp.int32, (T, T), 1)
    causal = col <= row

    ks = []
    vs = []
    for g in range(KV):
        kg = qkvn[:, H * HD + g * HD:H * HD + (g + 1) * HD] * rs[:, H + g:H + g + 1]
        ks.append(rope(kg))
        vs.append(qkv[:, (H + KV) * HD + g * HD:(H + KV) * HD + (g + 1) * HD])

    heads = []
    scale = 1.0 / np.sqrt(HD).astype(np.float32)
    for h in range(H):
        qh = rope(qkvn[:, h * HD:(h + 1) * HD] * rs[:, h:h + 1])
        g = h // (H // KV)
        s = jax.lax.dot_general(qh, ks[g], (((1,), (1,)), ((), ())),
                                preferred_element_type=jnp.float32) * scale
        s = jnp.where(causal, s, jnp.float32(-1e30))
        m = jnp.max(s, axis=-1, keepdims=True)
        p = jnp.exp(s - m)
        p = p / jnp.sum(p, axis=-1, keepdims=True)
        heads.append(jnp.dot(p, vs[g], preferred_element_type=jnp.float32))

    o = jnp.concatenate(heads, axis=1)
    hidden = x + jnp.dot(o, wo_ref[...], preferred_element_type=jnp.float32)
    hidden_ref[...] = hidden
    h2 = _rms(hidden, ln2_ref[...])
    h2_ref[...] = h2
    lg = jax.lax.dot_general(wgt_ref[...], h2, (((1,), (1,)), ((), ())),
                             preferred_element_type=jnp.float32)
    for wk in range(_NWORK):
        logits_ref[wk] = lg[:, wk * _LANES:(wk + 1) * _LANES]


def _attn_call(x, posf, ln1, wqkv, qn, kn, wo, ln2, wgt):
    return pl.pallas_call(
        _attn_body,
        out_shape=(
            jax.ShapeDtypeStruct((T, D), jnp.float32),
            jax.ShapeDtypeStruct((T, D), jnp.float32),
            jax.ShapeDtypeStruct((_NWORK, E, _LANES), jnp.float32),
        ),
    )(x, posf, ln1, wqkv, qn, kn, wo, ln2, wgt)



_LANES = 16
_NWORK = T // _LANES

_NEG = np.float32(-1e30)


def _router_body(logits_hbm, i1_hbm, i2_hbm, w1_hbm, w2_hbm,
                 in_v, i1_v, i2_v, w1_v, w2_v):
    wid = jax.lax.axis_index("s") * 2 + jax.lax.axis_index("c")

    @pl.when(wid < _NWORK)
    def _():
        base = wid * _LANES
        pltpu.sync_copy(logits_hbm.at[wid], in_v)
        r = [in_v[e, :] for e in range(E)]
        m1 = r[0]
        i1 = jnp.zeros((_LANES,), jnp.int32)
        for e in range(1, E):
            upd = r[e] > m1
            m1 = jnp.where(upd, r[e], m1)
            i1 = jnp.where(upd, e, i1)
        m2 = jnp.where(i1 == 0, _NEG, r[0])
        i2 = jnp.zeros((_LANES,), jnp.int32)
        for e in range(1, E):
            val = jnp.where(i1 == e, _NEG, r[e])
            upd = val > m2
            m2 = jnp.where(upd, val, m2)
            i2 = jnp.where(upd, e, i2)
        e2 = jnp.exp(m2 - m1)
        den = 1.0 + e2
        i1_v[...] = i1
        i2_v[...] = i2
        w1_v[...] = 1.0 / den
        w2_v[...] = e2 / den
        pltpu.sync_copy(i1_v, i1_hbm.at[pl.ds(base, _LANES)])
        pltpu.sync_copy(i2_v, i2_hbm.at[pl.ds(base, _LANES)])
        pltpu.sync_copy(w1_v, w1_hbm.at[pl.ds(base, _LANES)])
        pltpu.sync_copy(w2_v, w2_hbm.at[pl.ds(base, _LANES)])


@functools.cache
def _router():
    return pl.kernel(
        _router_body,
        mesh=plsc.VectorSubcoreMesh(core_axis_name="c", subcore_axis_name="s"),
        out_type=[
            jax.ShapeDtypeStruct((T,), jnp.int32),
            jax.ShapeDtypeStruct((T,), jnp.int32),
            jax.ShapeDtypeStruct((T,), jnp.float32),
            jax.ShapeDtypeStruct((T,), jnp.float32),
        ],
        scratch_types=[
            pltpu.VMEM((E, _LANES), jnp.float32),
            pltpu.VMEM((_LANES,), jnp.int32),
            pltpu.VMEM((_LANES,), jnp.int32),
            pltpu.VMEM((_LANES,), jnp.float32),
            pltpu.VMEM((_LANES,), jnp.float32),
        ],
    )



_EB = 1


def _moe_body(res_ref, h2_ref, i1_ref, i2_ref, w1_ref, w2_ref,
              ww1_ref, ww2_ref, out_ref):
    step = pl.program_id(0)

    @pl.when(step == 0)
    def _():
        out_ref[...] = res_ref[...]

    xb = h2_ref[...].astype(jnp.bfloat16)
    zero = jnp.float32(0.0)
    acc = jnp.zeros((T, D), jnp.float32)
    for i in range(_EB):
        e = step * _EB + i
        g = jnp.dot(xb, ww1_ref[i, :, :FF].astype(jnp.bfloat16),
                    preferred_element_type=jnp.float32)
        u = jnp.dot(xb, ww1_ref[i, :, FF:].astype(jnp.bfloat16),
                    preferred_element_type=jnp.float32)
        a = (g / (1.0 + jnp.exp(-g)) * u).astype(jnp.bfloat16)
        y = jnp.dot(a, ww2_ref[i].astype(jnp.bfloat16), preferred_element_type=jnp.float32)
        wcol = (jnp.where(i1_ref[...] == e, w1_ref[...], zero)
                + jnp.where(i2_ref[...] == e, w2_ref[...], zero))
        acc += wcol * y
    out_ref[...] += acc


def _moe_call(res, h2, i1, i2, w1, w2, W1, W2):
    full = lambda s: (0, 0)
    return pl.pallas_call(
        _moe_body,
        grid=(E // _EB,),
        in_specs=[
            pl.BlockSpec((T, D), full),
            pl.BlockSpec((T, D), full),
            pl.BlockSpec((T, 1), full),
            pl.BlockSpec((T, 1), full),
            pl.BlockSpec((T, 1), full),
            pl.BlockSpec((T, 1), full),
            pl.BlockSpec((_EB, D, 2 * FF), lambda s: (s, 0, 0)),
            pl.BlockSpec((_EB, FF, D), lambda s: (s, 0, 0)),
        ],
        out_specs=pl.BlockSpec((T, D), full),
        out_shape=jax.ShapeDtypeStruct((T, D), jnp.float32),
    )(res, h2, i1, i2, w1, w2, W1, W2)



def kernel(hidden_states, positions, ln1_w, Wqkv, q_norm_w, k_norm_w, Wo,
           ln2_w, Wg, W1, W2):
    posf = positions.astype(jnp.float32).reshape(T, 1)
    hidden, h2, logits3 = _attn_call(
        hidden_states, posf, ln1_w.reshape(1, D), Wqkv,
        q_norm_w.reshape(1, HD), k_norm_w.reshape(1, HD), Wo,
        ln2_w.reshape(1, D), Wg.T)
    i1, i2, w1, w2 = _router()(logits3)
    return _moe_call(hidden, h2, i1.reshape(T, 1), i2.reshape(T, 1),
                     w1.reshape(T, 1), w2.reshape(T, 1), W1, W2)

# --- scband reference (transcript-rebuilt; emitter-appended) ---
"""Pipeline reference for scband-hybrid-qwen3-moe-swadecoder-layer-16690242912523 (READ-ONLY COPY).

The authoritative reference and input builder live on the scoring server;
editing this copy changes nothing except your own understanding.
"""

import jax, jax.numpy as jnp
import numpy as np

T = 256
D = 1024
H = 16
KV = 4
HD = 64
E = 16
TOPK = 2
FF = 768
WINDOW = 512
EPS = 1e-06
THETA = 1000000.0


def setup_inputs(seed: int = 0):
    key = jax.random.key(seed)
    ks = jax.random.split(key, 8)
    init = 0.02
    return {
        'hidden_states': jax.random.normal(ks[0], (T, D), dtype=jnp.float32),
        'positions': jnp.arange(T, dtype=jnp.int32),
        'ln1_w': jnp.ones((D,), jnp.float32),
        'Wqkv': init * jax.random.normal(ks[1], (D, (H + 2 * KV) * HD), dtype=jnp.float32),
        'q_norm_w': jnp.ones((HD,), jnp.float32),
        'k_norm_w': jnp.ones((HD,), jnp.float32),
        'Wo': init * jax.random.normal(ks[2], (H * HD, D), dtype=jnp.float32),
        'ln2_w': jnp.ones((D,), jnp.float32),
        'Wg': init * jax.random.normal(ks[3], (D, E), dtype=jnp.float32),
        'W1': init * jax.random.normal(ks[4], (E, D, 2 * FF), dtype=jnp.float32),
        'W2': init * jax.random.normal(ks[5], (E, FF, D), dtype=jnp.float32),
    }


def _rmsnorm(x, w):
    return x * jax.lax.rsqrt(jnp.mean(x * x, axis=-1, keepdims=True) + EPS) * w


def _rope(x, pos):
    half = HD // 2
    inv_freq = 1.0 / (THETA ** (jnp.arange(0, half, dtype=jnp.float32) / half))
    freqs = pos.astype(jnp.float32)[:, None] * inv_freq[None, :]
    cos = jnp.cos(freqs)[:, None, :]
    sin = jnp.sin(freqs)[:, None, :]
    x1 = x[..., :half]
    x2 = x[..., half:]
    return jnp.concatenate([x1 * cos - x2 * sin, x2 * cos + x1 * sin], axis=-1)


def _attn(h, pos, Wqkv, q_norm_w, k_norm_w, Wo):
    qkv = h @ Wqkv
    q = qkv[:, :H * HD].reshape(T, H, HD)
    k = qkv[:, H * HD:H * HD + KV * HD].reshape(T, KV, HD)
    v = qkv[:, H * HD + KV * HD:].reshape(T, KV, HD)
    q = _rmsnorm(q, q_norm_w)
    k = _rmsnorm(k, k_norm_w)
    q = _rope(q, pos)
    k = _rope(k, pos)
    rep = H // KV
    k2 = jnp.repeat(k, rep, axis=1)
    v2 = jnp.repeat(v, rep, axis=1)
    scores = jnp.einsum('thd,shd->hts', q, k2) / jnp.sqrt(jnp.float32(HD))
    i = jnp.arange(T)[:, None]
    j = jnp.arange(T)[None, :]
    mask = (j <= i) & (j > i - WINDOW)
    scores = jnp.where(mask[None, :, :], scores, jnp.float32(-1e30))
    p = jax.nn.softmax(scores, axis=-1)
    o = jnp.einsum('hts,shd->thd', p, v2).reshape(T, H * HD)
    return o @ Wo


def _moe(x, Wg, W1, W2):
    logits = x @ Wg
    probs = jax.nn.softmax(logits, axis=-1)
    vals, idx = jax.lax.top_k(probs, TOPK)
    vals = vals / jnp.sum(vals, axis=-1, keepdims=True)
    w = jnp.zeros((T, E), jnp.float32).at[jnp.arange(T)[:, None], idx].add(vals)
    h1 = jnp.einsum('td,edf->etf', x, W1)
    a = jax.nn.silu(h1[..., :FF]) * h1[..., FF:]
    y = jnp.einsum('etf,efd->etd', a, W2)
    return jnp.einsum('te,etd->td', w, y)


def reference(hidden_states, positions, ln1_w, Wqkv, q_norm_w, k_norm_w, Wo, ln2_w, Wg, W1, W2):
    res = hidden_states
    h = _rmsnorm(hidden_states, ln1_w)
    h = _attn(h, positions, Wqkv, q_norm_w, k_norm_w, Wo)
    hidden = res + h
    res2 = hidden
    h2 = _rmsnorm(hidden, ln2_w)
    h2 = _moe(h2, Wg, W1, W2)
    return res2 + h2

if __name__ == "__main__":
    import jax
    _d = setup_inputs()
    print(jax.jit(kernel)(*tuple(_d.values())))

</pallas_src>

<mosaic_0001>
#map = affine_map<(d0, d1) -> (0, 0, 0)>
#map1 = affine_map<(d0, d1) -> (0)>
module attributes {stable_mosaic.version = 14 : i64} {
  func.func @_router_body(%arg0: i32, %arg1: i32, %arg2: memref<16x16x16xf32, #tpu.memory_space<hbm>>, %arg3: memref<256xi32, #tpu.memory_space<hbm>>, %arg4: memref<256xi32, #tpu.memory_space<hbm>>, %arg5: memref<256xf32, #tpu.memory_space<hbm>>, %arg6: memref<256xf32, #tpu.memory_space<hbm>>, %arg7: memref<16x16xf32, #tpu.memory_space<vmem>>, %arg8: memref<16xi32, #tpu.memory_space<vmem>>, %arg9: memref<16xi32, #tpu.memory_space<vmem>>, %arg10: memref<16xf32, #tpu.memory_space<vmem>>, %arg11: memref<16xf32, #tpu.memory_space<vmem>>) attributes {dimension_semantics = [#tpu.dimension_semantics<core_parallel>, #tpu.dimension_semantics<subcore_parallel>], iteration_bounds = array<i64: 2, 16>, scalar_prefetch = 0 : i64, scratch_operands = 5 : i64, tpu.core_type = #tpu.core_type<sc_vector_subcore>, window_params = [{transform_indices = #map}, {transform_indices = #map1}, {transform_indices = #map1}, {transform_indices = #map1}, {transform_indices = #map1}]} {
    %mul3A = arith.constant 2 : i32
    %mul3A_0 = arith.muli %arg1, %mul3A : i32
    %add3A = arith.addi %mul3A_0, %arg0 : i32
    %lt3A = arith.constant 16 : i32
    %lt3A_1 = arith.cmpi slt, %add3A, %lt3A : i32
    %convert_element_type3A = arith.extui %lt3A_1 : i1 to i32
    %cond3A = arith.constant 0 : i32
    %cond3A_2 = arith.cmpi ne, %convert_element_type3A, %cond3A : i32
    scf.if %cond3A_2 {
      %mul3A_3 = arith.constant 16 : i32
      %mul3A_4 = arith.muli %add3A, %mul3A_3 : i32
      "tpu.region"() ({
        %run_scoped3A = tpu.sem_alloc : memref<!tpu.dma_semaphore, #tpu.memory_space<semaphore_mem>>
        %dma_start3A = arith.constant 0 : i32
        %dma_start3A_350 = arith.constant 0 : i32
        %dma_start3A_351 = tpu.memref_slice %arg2[%add3A, %dma_start3A, %dma_start3A_350] : memref<16x16x16xf32, #tpu.memory_space<hbm>> -> memref<1x16x16xf32, #tpu.memory_space<hbm>>
        %dma_start3A_352 = tpu.memref_squeeze %dma_start3A_351 : memref<1x16x16xf32, #tpu.memory_space<hbm>> -> memref<16x16xf32, #tpu.memory_space<hbm>>
        %dma_start3A_353 = arith.constant 0 : i32
        %dma_start3A_354 = arith.constant 0 : i32
        %dma_start3A_355 = tpu.memref_slice %arg2[%add3A, %dma_start3A_353, %dma_start3A_354] : memref<16x16x16xf32, #tpu.memory_space<hbm>> -> memref<1x16x16xf32, #tpu.memory_space<hbm>>
        %dma_start3A_356 = tpu.memref_squeeze %dma_start3A_355 : memref<1x16x16xf32, #tpu.memory_space<hbm>> -> memref<16x16xf32, #tpu.memory_space<hbm>>
        tpu.enqueue_dma source(%dma_start3A_356 : memref<16x16xf32, #tpu.memory_space<hbm>>) target(%arg7 : memref<16x16xf32, #tpu.memory_space<vmem>>) target_semaphore(%run_scoped3A : memref<!tpu.dma_semaphore, #tpu.memory_space<semaphore_mem>>)
        %dma_wait3A = arith.constant 0 : i32
        %dma_wait3A_357 = arith.constant 0 : i32
        %dma_wait3A_358 = tpu.memref_slice %arg2[%add3A, %dma_wait3A, %dma_wait3A_357] : memref<16x16x16xf32, #tpu.memory_space<hbm>> -> memref<1x16x16xf32, #tpu.memory_space<hbm>>
        %dma_wait3A_359 = tpu.memref_squeeze %dma_wait3A_358 : memref<1x16x16xf32, #tpu.memory_space<hbm>> -> memref<16x16xf32, #tpu.memory_space<hbm>>
        %dma_wait3A_360 = arith.constant 0 : i32
        %dma_wait3A_361 = arith.constant 0 : i32
        %dma_wait3A_362 = tpu.memref_slice %arg2[%add3A, %dma_wait3A_360, %dma_wait3A_361] : memref<16x16x16xf32, #tpu.memory_space<hbm>> -> memref<1x16x16xf32, #tpu.memory_space<hbm>>
        %dma_wait3A_363 = tpu.memref_squeeze %dma_wait3A_362 : memref<1x16x16xf32, #tpu.memory_space<hbm>> -> memref<16x16xf32, #tpu.memory_space<hbm>>
        tpu.wait_dma2 semaphore(%run_scoped3A : memref<!tpu.dma_semaphore, #tpu.memory_space<semaphore_mem>>) src(%dma_wait3A_363 : memref<16x16xf32, #tpu.memory_space<hbm>>) dst(%arg7 : memref<16x16xf32, #tpu.memory_space<vmem>>)
        tpu.yield
      }) : () -> ()
      %get3A = arith.constant 0 : i32
      %get3A_5 = arith.index_cast %get3A : i32 to index
      %get3A_6 = arith.constant 0 : index
      %get3A_7 = tpu.vector_load %arg7[%get3A_5, %get3A_6] {strides = array<i32>} : memref<16x16xf32, #tpu.memory_space<vmem>>, vector<1x16xf32>,
      %get3A_8 = vector.shape_cast %get3A_7 : vector<1x16xf32> to vector<16xf32>
      %get3A_9 = arith.constant 1 : i32
      %get3A_10 = arith.index_cast %get3A_9 : i32 to index
      %get3A_11 = arith.constant 0 : index
      %get3A_12 = tpu.vector_load %arg7[%get3A_10, %get3A_11] {strides = array<i32>} : memref<16x16xf32, #tpu.memory_space<vmem>>, vector<1x16xf32>,
      %get3A_13 = vector.shape_cast %get3A_12 : vector<1x16xf32> to vector<16xf32>
      %get3A_14 = arith.constant 2 : i32
      %get3A_15 = arith.index_cast %get3A_14 : i32 to index
      %get3A_16 = arith.constant 0 : index
      %get3A_17 = tpu.vector_load %arg7[%get3A_15, %get3A_16] {strides = array<i32>} : memref<16x16xf32, #tpu.memory_space<vmem>>, vector<1x16xf32>,
      %get3A_18 = vector.shape_cast %get3A_17 : vector<1x16xf32> to vector<16xf32>
      %get3A_19 = arith.constant 3 : i32
      %get3A_20 = arith.index_cast %get3A_19 : i32 to index
      %get3A_21 = arith.constant 0 : index
      %get3A_22 = tpu.vector_load %arg7[%get3A_20, %get3A_21] {strides = array<i32>} : memref<16x16xf32, #tpu.memory_space<vmem>>, vector<1x16xf32>,
      %get3A_23 = vector.shape_cast %get3A_22 : vector<1x16xf32> to vector<16xf32>
      %get3A_24 = arith.constant 4 : i32
      %get3A_25 = arith.index_cast %get3A_24 : i32 to index
      %get3A_26 = arith.constant 0 : index
      %get3A_27 = tpu.vector_load %arg7[%get3A_25, %get3A_26] {strides = array<i32>} : memref<16x16xf32, #tpu.memory_space<vmem>>, vector<1x16xf32>,
      %get3A_28 = vector.shape_cast %get3A_27 : vector<1x16xf32> to vector<16xf32>
      %get3A_29 = arith.constant 5 : i32
      %get3A_30 = arith.index_cast %get3A_29 : i32 to index
      %get3A_31 = arith.constant 0 : index
      %get3A_32 = tpu.vector_load %arg7[%get3A_30, %get3A_31] {strides = array<i32>} : memref<16x16xf32, #tpu.memory_space<vmem>>, vector<1x16xf32>,
      %get3A_33 = vector.shape_cast %get3A_32 : vector<1x16xf32> to vector<16xf32>
      %get3A_34 = arith.constant 6 : i32
      %get3A_35 = arith.index_cast %get3A_34 : i32 to index
      %get3A_36 = arith.constant 0 : index
      %get3A_37 = tpu.vector_load %arg7[%get3A_35, %get3A_36] {strides = array<i32>} : memref<16x16xf32, #tpu.memory_space<vmem>>, vector<1x16xf32>,
      %get3A_38 = vector.shape_cast %get3A_37 : vector<1x16xf32> to vector<16xf32>
      %get3A_39 = arith.constant 7 : i32
      %get3A_40 = arith.index_cast %get3A_39 : i32 to index
      %get3A_41 = arith.constant 0 : index
      %get3A_42 = tpu.vector_load %arg7[%get3A_40, %get3A_41] {strides = array<i32>} : memref<16x16xf32, #tpu.memory_space<vmem>>, vector<1x16xf32>,
      %get3A_43 = vector.shape_cast %get3A_42 : vector<1x16xf32> to vector<16xf32>
      %get3A_44 = arith.constant 8 : i32
      %get3A_45 = arith.index_cast %get3A_44 : i32 to index
      %get3A_46 = arith.constant 0 : index
      %get3A_47 = tpu.vector_load %arg7[%get3A_45, %get3A_46] {strides = array<i32>} : memref<16x16xf32, #tpu.memory_space<vmem>>, vector<1x16xf32>,
      %get3A_48 = vector.shape_cast %get3A_47 : vector<1x16xf32> to vector<16xf32>
      %get3A_49 = arith.constant 9 : i32
      %get3A_50 = arith.index_cast %get3A_49 : i32 to index
      %get3A_51 = arith.constant 0 : index
      %get3A_52 = tpu.vector_load %arg7[%get3A_50, %get3A_51] {strides = array<i32>} : memref<16x16xf32, #tpu.memory_space<vmem>>, vector<1x16xf32>,
      %get3A_53 = vector.shape_cast %get3A_52 : vector<1x16xf32> to vector<16xf32>
      %get3A_54 = arith.constant 10 : i32
      %get3A_55 = arith.index_cast %get3A_54 : i32 to index
      %get3A_56 = arith.constant 0 : index
      %get3A_57 = tpu.vector_load %arg7[%get3A_55, %get3A_56] {strides = array<i32>} : memref<16x16xf32, #tpu.memory_space<vmem>>, vector<1x16xf32>,
      %get3A_58 = vector.shape_cast %get3A_57 : vector<1x16xf32> to vector<16xf32>
      %get3A_59 = arith.constant 11 : i32
      %get3A_60 = arith.index_cast %get3A_59 : i32 to index
      %get3A_61 = arith.constant 0 : index
      %get3A_62 = tpu.vector_load %arg7[%get3A_60, %get3A_61] {strides = array<i32>} : memref<16x16xf32, #tpu.memory_space<vmem>>, vector<1x16xf32>,
      %get3A_63 = vector.shape_cast %get3A_62 : vector<1x16xf32> to vector<16xf32>
      %get3A_64 = arith.constant 12 : i32
      %get3A_65 = arith.index_cast %get3A_64 : i32 to index
      %get3A_66 = arith.constant 0 : index
      %get3A_67 = tpu.vector_load %arg7[%get3A_65, %get3A_66] {strides = array<i32>} : memref<16x16xf32, #tpu.memory_space<vmem>>, vector<1x16xf32>,
      %get3A_68 = vector.shape_cast %get3A_67 : vector<1x16xf32> to vector<16xf32>
      %get3A_69 = arith.constant 13 : i32
      %get3A_70 = arith.index_cast %get3A_69 : i32 to index
      %get3A_71 = arith.constant 0 : index
      %get3A_72 = tpu.vector_load %arg7[%get3A_70, %get3A_71] {strides = array<i32>} : memref<16x16xf32, #tpu.memory_space<vmem>>, vector<1x16xf32>,
      %get3A_73 = vector.shape_cast %get3A_72 : vector<1x16xf32> to vector<16xf32>
      %get3A_74 = arith.constant 14 : i32
      %get3A_75 = arith.index_cast %get3A_74 : i32 to index
      %get3A_76 = arith.constant 0 : index
      %get3A_77 = tpu.vector_load %arg7[%get3A_75, %get3A_76] {strides = array<i32>} : memref<16x16xf32, #tpu.memory_space<vmem>>, vector<1x16xf32>,
      %get3A_78 = vector.shape_cast %get3A_77 : vector<1x16xf32> to vector<16xf32>
      %get3A_79 = arith.constant 15 : i32
      %get3A_80 = arith.index_cast %get3A_79 : i32 to index
      %get3A_81 = arith.constant 0 : index
      %get3A_82 = tpu.vector_load %arg7[%get3A_80, %get3A_81] {strides = array<i32>} : memref<16x16xf32, #tpu.memory_space<vmem>>, vector<1x16xf32>,
      %get3A_83 = vector.shape_cast %get3A_82 : vector<1x16xf32> to vector<16xf32>
      %broadcast_in_dim3A = arith.constant 0 : i32
      %broadcast_in_dim3A_84 = vector.broadcast %broadcast_in_dim3A : i32 to vector<16xi32>
      %gt3A = arith.cmpf ogt, %get3A_13, %get3A_8 : vector<16xf32>
      %select_n3A = arith.select %gt3A, %get3A_13, %get3A_8 : vector<16xi1>, vector<16xf32>
      %jit3A = arith.constant 1 : i32
      %broadcast_in_dim3A_85 = vector.broadcast %jit3A : i32 to vector<16xi32>
      %select_n3A_86 = arith.select %gt3A, %broadcast_in_dim3A_85, %broadcast_in_dim3A_84 : vector<16xi1>, vector<16xi32>
      %gt3A_87 = arith.cmpf ogt, %get3A_18, %select_n3A : vector<16xf32>
      %select_n3A_88 = arith.select %gt3A_87, %get3A_18, %select_n3A : vector<16xi1>, vector<16xf32>
      %jit3A_89 = arith.constant 2 : i32
      %broadcast_in_dim3A_90 = vector.broadcast %jit3A_89 : i32 to vector<16xi32>
      %select_n3A_91 = arith.select %gt3A_87, %broadcast_in_dim3A_90, %select_n3A_86 : vector<16xi1>, vector<16xi32>
      %gt3A_92 = arith.cmpf ogt, %get3A_23, %select_n3A_88 : vector<16xf32>
      %select_n3A_93 = arith.select %gt3A_92, %get3A_23, %select_n3A_88 : vector<16xi1>, vector<16xf32>
      %jit3A_94 = arith.constant 3 : i32
      %broadcast_in_dim3A_95 = vector.broadcast %jit3A_94 : i32 to vector<16xi32>
      %select_n3A_96 = arith.select %gt3A_92, %broadcast_in_dim3A_95, %select_n3A_91 : vector<16xi1>, vector<16xi32>
      %gt3A_97 = arith.cmpf ogt, %get3A_28, %select_n3A_93 : vector<16xf32>
      %select_n3A_98 = arith.select %gt3A_97, %get3A_28, %select_n3A_93 : vector<16xi1>, vector<16xf32>
      %jit3A_99 = arith.constant 4 : i32
      %broadcast_in_dim3A_100 = vector.broadcast %jit3A_99 : i32 to vector<16xi32>
      %select_n3A_101 = arith.select %gt3A_97, %broadcast_in_dim3A_100, %select_n3A_96 : vector<16xi1>, vector<16xi32>
      %gt3A_102 = arith.cmpf ogt, %get3A_33, %select_n3A_98 : vector<16xf32>
      %select_n3A_103 = arith.select %gt3A_102, %get3A_33, %select_n3A_98 : vector<16xi1>, vector<16xf32>
      %jit3A_104 = arith.constant 5 : i32
      %broadcast_in_dim3A_105 = vector.broadcast %jit3A_104 : i32 to vector<16xi32>
      %select_n3A_106 = arith.select %gt3A_102, %broadcast_in_dim3A_105, %select_n3A_101 : vector<16xi1>, vector<16xi32>
      %gt3A_107 = arith.cmpf ogt, %get3A_38, %select_n3A_103 : vector<16xf32>
      %select_n3A_108 = arith.select %gt3A_107, %get3A_38, %select_n3A_103 : vector<16xi1>, vector<16xf32>
      %jit3A_109 = arith.constant 6 : i32
      %broadcast_in_dim3A_110 = vector.broadcast %jit3A_109 : i32 to vector<16xi32>
      %select_n3A_111 = arith.select %gt3A_107, %broadcast_in_dim3A_110, %select_n3A_106 : vector<16xi1>, vector<16xi32>
      %gt3A_112 = arith.cmpf ogt, %get3A_43, %select_n3A_108 : vector<16xf32>
      %select_n3A_113 = arith.select %gt3A_112, %get3A_43, %select_n3A_108 : vector<16xi1>, vector<16xf32>
      %jit3A_114 = arith.constant 7 : i32
      %broadcast_in_dim3A_115 = vector.broadcast %jit3A_114 : i32 to vector<16xi32>
      %select_n3A_116 = arith.select %gt3A_112, %broadcast_in_dim3A_115, %select_n3A_111 : vector<16xi1>, vector<16xi32>
      %gt3A_117 = arith.cmpf ogt, %get3A_48, %select_n3A_113 : vector<16xf32>
      %select_n3A_118 = arith.select %gt3A_117, %get3A_48, %select_n3A_113 : vector<16xi1>, vector<16xf32>
      %jit3A_119 = arith.constant 8 : i32
      %broadcast_in_dim3A_120 = vector.broadcast %jit3A_119 : i32 to vector<16xi32>
      %select_n3A_121 = arith.select %gt3A_117, %broadcast_in_dim3A_120, %select_n3A_116 : vector<16xi1>, vector<16xi32>
      %gt3A_122 = arith.cmpf ogt, %get3A_53, %select_n3A_118 : vector<16xf32>
      %select_n3A_123 = arith.select %gt3A_122, %get3A_53, %select_n3A_118 : vector<16xi1>, vector<16xf32>
      %jit3A_124 = arith.constant 9 : i32
      %broadcast_in_dim3A_125 = vector.broadcast %jit3A_124 : i32 to vector<16xi32>
      %select_n3A_126 = arith.select %gt3A_122, %broadcast_in_dim3A_125, %select_n3A_121 : vector<16xi1>, vector<16xi32>
      %gt3A_127 = arith.cmpf ogt, %get3A_58, %select_n3A_123 : vector<16xf32>
      %select_n3A_128 = arith.select %gt3A_127, %get3A_58, %select_n3A_123 : vector<16xi1>, vector<16xf32>
      %jit3A_129 = arith.constant 10 : i32
      %broadcast_in_dim3A_130 = vector.broadcast %jit3A_129 : i32 to vector<16xi32>
      %select_n3A_131 = arith.select %gt3A_127, %broadcast_in_dim3A_130, %select_n3A_126 : vector<16xi1>, vector<16xi32>
      %gt3A_132 = arith.cmpf ogt, %get3A_63, %select_n3A_128 : vector<16xf32>
      %select_n3A_133 = arith.select %gt3A_132, %get3A_63, %select_n3A_128 : vector<16xi1>, vector<16xf32>
      %jit3A_134 = arith.constant 11 : i32
      %broadcast_in_dim3A_135 = vector.broadcast %jit3A_134 : i32 to vector<16xi32>
      %select_n3A_136 = arith.select %gt3A_132, %broadcast_in_dim3A_135, %select_n3A_131 : vector<16xi1>, vector<16xi32>
      %gt3A_137 = arith.cmpf ogt, %get3A_68, %select_n3A_133 : vector<16xf32>
      %select_n3A_138 = arith.select %gt3A_137, %get3A_68, %select_n3A_133 : vector<16xi1>, vector<16xf32>
      %jit3A_139 = arith.constant 12 : i32
      %broadcast_in_dim3A_140 = vector.broadcast %jit3A_139 : i32 to vector<16xi32>
      %select_n3A_141 = arith.select %gt3A_137, %broadcast_in_dim3A_140, %select_n3A_136 : vector<16xi1>, vector<16xi32>
      %gt3A_142 = arith.cmpf ogt, %get3A_73, %select_n3A_138 : vector<16xf32>
      %select_n3A_143 = arith.select %gt3A_142, %get3A_73, %select_n3A_138 : vector<16xi1>, vector<16xf32>
      %jit3A_144 = arith.constant 13 : i32
      %broadcast_in_dim3A_145 = vector.broadcast %jit3A_144 : i32 to vector<16xi32>
      %select_n3A_146 = arith.select %gt3A_142, %broadcast_in_dim3A_145, %select_n3A_141 : vector<16xi1>, vector<16xi32>
      %gt3A_147 = arith.cmpf ogt, %get3A_78, %select_n3A_143 : vector<16xf32>
      %select_n3A_148 = arith.select %gt3A_147, %get3A_78, %select_n3A_143 : vector<16xi1>, vector<16xf32>
      %jit3A_149 = arith.constant 14 : i32
      %broadcast_in_dim3A_150 = vector.broadcast %jit3A_149 : i32 to vector<16xi32>
      %select_n3A_151 = arith.select %gt3A_147, %broadcast_in_dim3A_150, %select_n3A_146 : vector<16xi1>, vector<16xi32>
      %gt3A_152 = arith.cmpf ogt, %get3A_83, %select_n3A_148 : vector<16xf32>
      %select_n3A_153 = arith.select %gt3A_152, %get3A_83, %select_n3A_148 : vector<16xi1>, vector<16xf32>
      %jit3A_154 = arith.constant 15 : i32
      %broadcast_in_dim3A_155 = vector.broadcast %jit3A_154 : i32 to vector<16xi32>
      %select_n3A_156 = arith.select %gt3A_152, %broadcast_in_dim3A_155, %select_n3A_151 : vector<16xi1>, vector<16xi32>
      %eq3A = arith.constant 0 : i32
      %eq3A_157 = vector.broadcast %eq3A : i32 to vector<16xi32>
      %eq3A_158 = arith.cmpi eq, %select_n3A_156, %eq3A_157 : vector<16xi32>
      %jit3A_159 = arith.constant -1.000000e+30 : f32
      %broadcast_in_dim3A_160 = vector.broadcast %jit3A_159 : f32 to vector<16xf32>
      %select_n3A_161 = arith.select %eq3A_158, %broadcast_in_dim3A_160, %get3A_8 : vector<16xi1>, vector<16xf32>
      %broadcast_in_dim3A_162 = arith.constant 0 : i32
      %broadcast_in_dim3A_163 = vector.broadcast %broadcast_in_dim3A_162 : i32 to vector<16xi32>
      %eq3A_164 = arith.constant 1 : i32
      %eq3A_165 = vector.broadcast %eq3A_164 : i32 to vector<16xi32>
      %eq3A_166 = arith.cmpi eq, %select_n3A_156, %eq3A_165 : vector<16xi32>
      %jit3A_167 = arith.constant -1.000000e+30 : f32
      %broadcast_in_dim3A_168 = vector.broadcast %jit3A_167 : f32 to vector<16xf32>
      %select_n3A_169 = arith.select %eq3A_166, %broadcast_in_dim3A_168, %get3A_13 : vector<16xi1>, vector<16xf32>
      %gt3A_170 = arith.cmpf ogt, %select_n3A_169, %select_n3A_161 : vector<16xf32>
      %select_n3A_171 = arith.select %gt3A_170, %select_n3A_169, %select_n3A_161 : vector<16xi1>, vector<16xf32>
      %jit3A_172 = arith.constant 1 : i32
      %broadcast_in_dim3A_173 = vector.broadcast %jit3A_172 : i32 to vector<16xi32>
      %select_n3A_174 = arith.select %gt3A_170, %broadcast_in_dim3A_173, %broadcast_in_dim3A_163 : vector<16xi1>, vector<16xi32>
      %eq3A_175 = arith.constant 2 : i32
      %eq3A_176 = vector.broadcast %eq3A_175 : i32 to vector<16xi32>
      %eq3A_177 = arith.cmpi eq, %select_n3A_156, %eq3A_176 : vector<16xi32>
      %jit3A_178 = arith.constant -1.000000e+30 : f32
      %broadcast_in_dim3A_179 = vector.broadcast %jit3A_178 : f32 to vector<16xf32>
      %select_n3A_180 = arith.select %eq3A_177, %broadcast_in_dim3A_179, %get3A_18 : vector<16xi1>, vector<16xf32>
      %gt3A_181 = arith.cmpf ogt, %select_n3A_180, %select_n3A_171 : vector<16xf32>
      %select_n3A_182 = arith.select %gt3A_181, %select_n3A_180, %select_n3A_171 : vector<16xi1>, vector<16xf32>
      %jit3A_183 = arith.constant 2 : i32
      %broadcast_in_dim3A_184 = vector.broadcast %jit3A_183 : i32 to vector<16xi32>
      %select_n3A_185 = arith.select %gt3A_181, %broadcast_in_dim3A_184, %select_n3A_174 : vector<16xi1>, vector<16xi32>
      %eq3A_186 = arith.constant 3 : i32
      %eq3A_187 = vector.broadcast %eq3A_186 : i32 to vector<16xi32>
      %eq3A_188 = arith.cmpi eq, %select_n3A_156, %eq3A_187 : vector<16xi32>
      %jit3A_189 = arith.constant -1.000000e+30 : f32
      %broadcast_in_dim3A_190 = vector.broadcast %jit3A_189 : f32 to vector<16xf32>
      %select_n3A_191 = arith.select %eq3A_188, %broadcast_in_dim3A_190, %get3A_23 : vector<16xi1>, vector<16xf32>
      %gt3A_192 = arith.cmpf ogt, %select_n3A_191, %select_n3A_182 : vector<16xf32>
      %select_n3A_193 = arith.select %gt3A_192, %select_n3A_191, %select_n3A_182 : vector<16xi1>, vector<16xf32>
      %jit3A_194 = arith.constant 3 : i32
      %broadcast_in_dim3A_195 = vector.broadcast %jit3A_194 : i32 to vector<16xi32>
      %select_n3A_196 = arith.select %gt3A_192, %broadcast_in_dim3A_195, %select_n3A_185 : vector<16xi1>, vector<16xi32>
      %eq3A_197 = arith.constant 4 : i32
      %eq3A_198 = vector.broadcast %eq3A_197 : i32 to vector<16xi32>
      %eq3A_199 = arith.cmpi eq, %select_n3A_156, %eq3A_198 : vector<16xi32>
      %jit3A_200 = arith.constant -1.000000e+30 : f32
      %broadcast_in_dim3A_201 = vector.broadcast %jit3A_200 : f32 to vector<16xf32>
      %select_n3A_202 = arith.select %eq3A_199, %broadcast_in_dim3A_201, %get3A_28 : vector<16xi1>, vector<16xf32>
      %gt3A_203 = arith.cmpf ogt, %select_n3A_202, %select_n3A_193 : vector<16xf32>
      %select_n3A_204 = arith.select %gt3A_203, %select_n3A_202, %select_n3A_193 : vector<16xi1>, vector<16xf32>
      %jit3A_205 = arith.constant 4 : i32
      %broadcast_in_dim3A_206 = vector.broadcast %jit3A_205 : i32 to vector<16xi32>
      %select_n3A_207 = arith.select %gt3A_203, %broadcast_in_dim3A_206, %select_n3A_196 : vector<16xi1>, vector<16xi32>
      %eq3A_208 = arith.constant 5 : i32
      %eq3A_209 = vector.broadcast %eq3A_208 : i32 to vector<16xi32>
      %eq3A_210 = arith.cmpi eq, %select_n3A_156, %eq3A_209 : vector<16xi32>
      %jit3A_211 = arith.constant -1.000000e+30 : f32
      %broadcast_in_dim3A_212 = vector.broadcast %jit3A_211 : f32 to vector<16xf32>
      %select_n3A_213 = arith.select %eq3A_210, %broadcast_in_dim3A_212, %get3A_33 : vector<16xi1>, vector<16xf32>
      %gt3A_214 = arith.cmpf ogt, %select_n3A_213, %select_n3A_204 : vector<16xf32>
      %select_n3A_215 = arith.select %gt3A_214, %select_n3A_213, %select_n3A_204 : vector<16xi1>, vector<16xf32>
      %jit3A_216 = arith.constant 5 : i32
      %broadcast_in_dim3A_217 = vector.broadcast %jit3A_216 : i32 to vector<16xi32>
      %select_n3A_218 = arith.select %gt3A_214, %broadcast_in_dim3A_217, %select_n3A_207 : vector<16xi1>, vector<16xi32>
      %eq3A_219 = arith.constant 6 : i32
      %eq3A_220 = vector.broadcast %eq3A_219 : i32 to vector<16xi32>
      %eq3A_221 = arith.cmpi eq, %select_n3A_156, %eq3A_220 : vector<16xi32>
      %jit3A_222 = arith.constant -1.000000e+30 : f32
      %broadcast_in_dim3A_223 = vector.broadcast %jit3A_222 : f32 to vector<16xf32>
      %select_n3A_224 = arith.select %eq3A_221, %broadcast_in_dim3A_223, %get3A_38 : vector<16xi1>, vector<16xf32>
      %gt3A_225 = arith.cmpf ogt, %select_n3A_224, %select_n3A_215 : vector<16xf32>
      %select_n3A_226 = arith.select %gt3A_225, %select_n3A_224, %select_n3A_215 : vector<16xi1>, vector<16xf32>
      %jit3A_227 = arith.constant 6 : i32
      %broadcast_in_dim3A_228 = vector.broadcast %jit3A_227 : i32 to vector<16xi32>
      %select_n3A_229 = arith.select %gt3A_225, %broadcast_in_dim3A_228, %select_n3A_218 : vector<16xi1>, vector<16xi32>
      %eq3A_230 = arith.constant 7 : i32
      %eq3A_231 = vector.broadcast %eq3A_230 : i32 to vector<16xi32>
      %eq3A_232 = arith.cmpi eq, %select_n3A_156, %eq3A_231 : vector<16xi32>
      %jit3A_233 = arith.constant -1.000000e+30 : f32
      %broadcast_in_dim3A_234 = vector.broadcast %jit3A_233 : f32 to vector<16xf32>
      %select_n3A_235 = arith.select %eq3A_232, %broadcast_in_dim3A_234, %get3A_43 : vector<16xi1>, vector<16xf32>
      %gt3A_236 = arith.cmpf ogt, %select_n3A_235, %select_n3A_226 : vector<16xf32>
      %select_n3A_237 = arith.select %gt3A_236, %select_n3A_235, %select_n3A_226 : vector<16xi1>, vector<16xf32>
      %jit3A_238 = arith.constant 7 : i32
      %broadcast_in_dim3A_239 = vector.broadcast %jit3A_238 : i32 to vector<16xi32>
      %select_n3A_240 = arith.select %gt3A_236, %broadcast_in_dim3A_239, %select_n3A_229 : vector<16xi1>, vector<16xi32>
      %eq3A_241 = arith.constant 8 : i32
      %eq3A_242 = vector.broadcast %eq3A_241 : i32 to vector<16xi32>
      %eq3A_243 = arith.cmpi eq, %select_n3A_156, %eq3A_242 : vector<16xi32>
      %jit3A_244 = arith.constant -1.000000e+30 : f32
      %broadcast_in_dim3A_245 = vector.broadcast %jit3A_244 : f32 to vector<16xf32>
      %select_n3A_246 = arith.select %eq3A_243, %broadcast_in_dim3A_245, %get3A_48 : vector<16xi1>, vector<16xf32>
      %gt3A_247 = arith.cmpf ogt, %select_n3A_246, %select_n3A_237 : vector<16xf32>
      %select_n3A_248 = arith.select %gt3A_247, %select_n3A_246, %select_n3A_237 : vector<16xi1>, vector<16xf32>
      %jit3A_249 = arith.constant 8 : i32
      %broadcast_in_dim3A_250 = vector.broadcast %jit3A_249 : i32 to vector<16xi32>
      %select_n3A_251 = arith.select %gt3A_247, %broadcast_in_dim3A_250, %select_n3A_240 : vector<16xi1>, vector<16xi32>
      %eq3A_252 = arith.constant 9 : i32
      %eq3A_253 = vector.broadcast %eq3A_252 : i32 to vector<16xi32>
      %eq3A_254 = arith.cmpi eq, %select_n3A_156, %eq3A_253 : vector<16xi32>
      %jit3A_255 = arith.constant -1.000000e+30 : f32
      %broadcast_in_dim3A_256 = vector.broadcast %jit3A_255 : f32 to vector<16xf32>
      %select_n3A_257 = arith.select %eq3A_254, %broadcast_in_dim3A_256, %get3A_53 : vector<16xi1>, vector<16xf32>
      %gt3A_258 = arith.cmpf ogt, %select_n3A_257, %select_n3A_248 : vector<16xf32>
      %select_n3A_259 = arith.select %gt3A_258, %select_n3A_257, %select_n3A_248 : vector<16xi1>, vector<16xf32>
      %jit3A_260 = arith.constant 9 : i32
      %broadcast_in_dim3A_261 = vector.broadcast %jit3A_260 : i32 to vector<16xi32>
      %select_n3A_262 = arith.select %gt3A_258, %broadcast_in_dim3A_261, %select_n3A_251 : vector<16xi1>, vector<16xi32>
      %eq3A_263 = arith.constant 10 : i32
      %eq3A_264 = vector.broadcast %eq3A_263 : i32 to vector<16xi32>
      %eq3A_265 = arith.cmpi eq, %select_n3A_156, %eq3A_264 : vector<16xi32>
      %jit3A_266 = arith.constant -1.000000e+30 : f32
      %broadcast_in_dim3A_267 = vector.broadcast %jit3A_266 : f32 to vector<16xf32>
      %select_n3A_268 = arith.select %eq3A_265, %broadcast_in_dim3A_267, %get3A_58 : vector<16xi1>, vector<16xf32>
      %gt3A_269 = arith.cmpf ogt, %select_n3A_268, %select_n3A_259 : vector<16xf32>
      %select_n3A_270 = arith.select %gt3A_269, %select_n3A_268, %select_n3A_259 : vector<16xi1>, vector<16xf32>
      %jit3A_271 = arith.constant 10 : i32
      %broadcast_in_dim3A_272 = vector.broadcast %jit3A_271 : i32 to vector<16xi32>
      %select_n3A_273 = arith.select %gt3A_269, %broadcast_in_dim3A_272, %select_n3A_262 : vector<16xi1>, vector<16xi32>
      %eq3A_274 = arith.constant 11 : i32
      %eq3A_275 = vector.broadcast %eq3A_274 : i32 to vector<16xi32>
      %eq3A_276 = arith.cmpi eq, %select_n3A_156, %eq3A_275 : vector<16xi32>
      %jit3A_277 = arith.constant -1.000000e+30 : f32
      %broadcast_in_dim3A_278 = vector.broadcast %jit3A_277 : f32 to vector<16xf32>
      %select_n3A_279 = arith.select %eq3A_276, %broadcast_in_dim3A_278, %get3A_63 : vector<16xi1>, vector<16xf32>
      %gt3A_280 = arith.cmpf ogt, %select_n3A_279, %select_n3A_270 : vector<16xf32>
      %select_n3A_281 = arith.select %gt3A_280, %select_n3A_279, %select_n3A_270 : vector<16xi1>, vector<16xf32>
      %jit3A_282 = arith.constant 11 : i32
      %broadcast_in_dim3A_283 = vector.broadcast %jit3A_282 : i32 to vector<16xi32>
      %select_n3A_284 = arith.select %gt3A_280, %broadcast_in_dim3A_283, %select_n3A_273 : vector<16xi1>, vector<16xi32>
      %eq3A_285 = arith.constant 12 : i32
      %eq3A_286 = vector.broadcast %eq3A_285 : i32 to vector<16xi32>
      %eq3A_287 = arith.cmpi eq, %select_n3A_156, %eq3A_286 : vector<16xi32>
      %jit3A_288 = arith.constant -1.000000e+30 : f32
      %broadcast_in_dim3A_289 = vector.broadcast %jit3A_288 : f32 to vector<16xf32>
      %select_n3A_290 = arith.select %eq3A_287, %broadcast_in_dim3A_289, %get3A_68 : vector<16xi1>, vector<16xf32>
      %gt3A_291 = arith.cmpf ogt, %select_n3A_290, %select_n3A_281 : vector<16xf32>
      %select_n3A_292 = arith.select %gt3A_291, %select_n3A_290, %select_n3A_281 : vector<16xi1>, vector<16xf32>
      %jit3A_293 = arith.constant 12 : i32
      %broadcast_in_dim3A_294 = vector.broadcast %jit3A_293 : i32 to vector<16xi32>
      %select_n3A_295 = arith.select %gt3A_291, %broadcast_in_dim3A_294, %select_n3A_284 : vector<16xi1>, vector<16xi32>
      %eq3A_296 = arith.constant 13 : i32
      %eq3A_297 = vector.broadcast %eq3A_296 : i32 to vector<16xi32>
      %eq3A_298 = arith.cmpi eq, %select_n3A_156, %eq3A_297 : vector<16xi32>
      %jit3A_299 = arith.constant -1.000000e+30 : f32
      %broadcast_in_dim3A_300 = vector.broadcast %jit3A_299 : f32 to vector<16xf32>
      %select_n3A_301 = arith.select %eq3A_298, %broadcast_in_dim3A_300, %get3A_73 : vector<16xi1>, vector<16xf32>
      %gt3A_302 = arith.cmpf ogt, %select_n3A_301, %select_n3A_292 : vector<16xf32>
      %select_n3A_303 = arith.select %gt3A_302, %select_n3A_301, %select_n3A_292 : vector<16xi1>, vector<16xf32>
      %jit3A_304 = arith.constant 13 : i32
      %broadcast_in_dim3A_305 = vector.broadcast %jit3A_304 : i32 to vector<16xi32>
      %select_n3A_306 = arith.select %gt3A_302, %broadcast_in_dim3A_305, %select_n3A_295 : vector<16xi1>, vector<16xi32>
      %eq3A_307 = arith.constant 14 : i32
      %eq3A_308 = vector.broadcast %eq3A_307 : i32 to vector<16xi32>
      %eq3A_309 = arith.cmpi eq, %select_n3A_156, %eq3A_308 : vector<16xi32>
      %jit3A_310 = arith.constant -1.000000e+30 : f32
      %broadcast_in_dim3A_311 = vector.broadcast %jit3A_310 : f32 to vector<16xf32>
      %select_n3A_312 = arith.select %eq3A_309, %broadcast_in_dim3A_311, %get3A_78 : vector<16xi1>, vector<16xf32>
      %gt3A_313 = arith.cmpf ogt, %select_n3A_312, %select_n3A_303 : vector<16xf32>
      %select_n3A_314 = arith.select %gt3A_313, %select_n3A_312, %select_n3A_303 : vector<16xi1>, vector<16xf32>
      %jit3A_315 = arith.constant 14 : i32
      %broadcast_in_dim3A_316 = vector.broadcast %jit3A_315 : i32 to vector<16xi32>
      %select_n3A_317 = arith.select %gt3A_313, %broadcast_in_dim3A_316, %select_n3A_306 : vector<16xi1>, vector<16xi32>
      %eq3A_318 = arith.constant 15 : i32
      %eq3A_319 = vector.broadcast %eq3A_318 : i32 to vector<16xi32>
      %eq3A_320 = arith.cmpi eq, %select_n3A_156, %eq3A_319 : vector<16xi32>
      %jit3A_321 = arith.constant -1.000000e+30 : f32
      %broadcast_in_dim3A_322 = vector.broadcast %jit3A_321 : f32 to vector<16xf32>
      %select_n3A_323 = arith.select %eq3A_320, %broadcast_in_dim3A_322, %get3A_83 : vector<16xi1>, vector<16xf32>
      %gt3A_324 = arith.cmpf ogt, %select_n3A_323, %select_n3A_314 : vector<16xf32>
      %select_n3A_325 = arith.select %gt3A_324, %select_n3A_323, %select_n3A_314 : vector<16xi1>, vector<16xf32>
      %jit3A_326 = arith.constant 15 : i32
      %broadcast_in_dim3A_327 = vector.broadcast %jit3A_326 : i32 to vector<16xi32>
      %select_n3A_328 = arith.select %gt3A_324, %broadcast_in_dim3A_327, %select_n3A_317 : vector<16xi1>, vector<16xi32>
      %sub3A = arith.subf %select_n3A_325, %select_n3A_153 : vector<16xf32>
      %exp3A = math.exp %sub3A : vector<16xf32>
      %add3A_329 = arith.constant 1.000000e+00 : f32
      %add3A_330 = vector.broadcast %add3A_329 : f32 to vector<16xf32>
      %add3A_331 = arith.addf %add3A_330, %exp3A : vector<16xf32>
      %swap3A = arith.constant 0 : index
      %swap3A_332 = tpu.vector_load %arg8[%swap3A] {strides = array<i32>} : memref<16xi32, #tpu.memory_space<vmem>>, vector<16xi32>,
      %swap3A_333 = vector.shape_cast %swap3A_332 : vector<16xi32> to vector<16xi32>
      %swap3A_334 = vector.shape_cast %select_n3A_156 : vector<16xi32> to vector<16xi32>
      tpu.vector_store %arg8[%swap3A], %swap3A_334 {strides = array<i32>} : memref<16xi32, #tpu.memory_space<vmem>>, vector<16xi32>,
      %swap3A_335 = arith.constant 0 : index
      %swap3A_336 = tpu.vector_load %arg9[%swap3A_335] {strides = array<i32>} : memref<16xi32, #tpu.memory_space<vmem>>, vector<16xi32>,
      %swap3A_337 = vector.shape_cast %swap3A_336 : vector<16xi32> to vector<16xi32>
      %swap3A_338 = vector.shape_cast %select_n3A_328 : vector<16xi32> to vector<16xi32>
      tpu.vector_store %arg9[%swap3A_335], %swap3A_338 {strides = array<i32>} : memref<16xi32, #tpu.memory_space<vmem>>, vector<16xi32>,
      %div3A = arith.constant 1.000000e+00 : f32
      %div3A_339 = vector.broadcast %div3A : f32 to vector<16xf32>
      %div3A_340 = arith.divf %div3A_339, %add3A_331 : vector<16xf32>
      %swap3A_341 = arith.constant 0 : index
      %swap3A_342 = tpu.vector_load %arg10[%swap3A_341] {strides = array<i32>} : memref<16xf32, #tpu.memory_space<vmem>>, vector<16xf32>,
      %swap3A_343 = vector.shape_cast %swap3A_342 : vector<16xf32> to vector<16xf32>
      %swap3A_344 = vector.shape_cast %div3A_340 : vector<16xf32> to vector<16xf32>
      tpu.vector_store %arg10[%swap3A_341], %swap3A_344 {strides = array<i32>} : memref<16xf32, #tpu.memory_space<vmem>>, vector<16xf32>,
      %div3A_345 = arith.divf %exp3A, %add3A_331 : vector<16xf32>
      %swap3A_346 = arith.constant 0 : index
      %swap3A_347 = tpu.vector_load %arg11[%swap3A_346] {strides = array<i32>} : memref<16xf32, #tpu.memory_space<vmem>>, vector<16xf32>,
      %swap3A_348 = vector.shape_cast %swap3A_347 : vector<16xf32> to vector<16xf32>
      %swap3A_349 = vector.shape_cast %div3A_345 : vector<16xf32> to vector<16xf32>
      tpu.vector_store %arg11[%swap3A_346], %swap3A_349 {strides = array<i32>} : memref<16xf32, #tpu.memory_space<vmem>>, vector<16xf32>,
      "tpu.region"() ({
        %run_scoped3A = tpu.sem_alloc : memref<!tpu.dma_semaphore, #tpu.memory_space<semaphore_mem>>
        %dma_start3A = tpu.memref_slice %arg3[%mul3A_4] : memref<256xi32, #tpu.memory_space<hbm>> -> memref<16xi32, #tpu.memory_space<hbm>>
        %dma_start3A_350 = tpu.memref_slice %arg3[%mul3A_4] : memref<256xi32, #tpu.memory_space<hbm>> -> memref<16xi32, #tpu.memory_space<hbm>>
        tpu.enqueue_dma source(%arg8 : memref<16xi32, #tpu.memory_space<vmem>>) target(%dma_start3A_350 : memref<16xi32, #tpu.memory_space<hbm>>) target_semaphore(%run_scoped3A : memref<!tpu.dma_semaphore, #tpu.memory_space<semaphore_mem>>)
        %dma_wait3A = tpu.memref_slice %arg3[%mul3A_4] : memref<256xi32, #tpu.memory_space<hbm>> -> memref<16xi32, #tpu.memory_space<hbm>>
        %dma_wait3A_351 = tpu.memref_slice %arg3[%mul3A_4] : memref<256xi32, #tpu.memory_space<hbm>> -> memref<16xi32, #tpu.memory_space<hbm>>
        tpu.wait_dma2 semaphore(%run_scoped3A : memref<!tpu.dma_semaphore, #tpu.memory_space<semaphore_mem>>) src(%arg8 : memref<16xi32, #tpu.memory_space<vmem>>) dst(%dma_wait3A_351 : memref<16xi32, #tpu.memory_space<hbm>>)
        tpu.yield
      }) : () -> ()
      "tpu.region"() ({
        %run_scoped3A = tpu.sem_alloc : memref<!tpu.dma_semaphore, #tpu.memory_space<semaphore_mem>>
        %dma_start3A = tpu.memref_slice %arg4[%mul3A_4] : memref<256xi32, #tpu.memory_space<hbm>> -> memref<16xi32, #tpu.memory_space<hbm>>
        %dma_start3A_350 = tpu.memref_slice %arg4[%mul3A_4] : memref<256xi32, #tpu.memory_space<hbm>> -> memref<16xi32, #tpu.memory_space<hbm>>
        tpu.enqueue_dma source(%arg9 : memref<16xi32, #tpu.memory_space<vmem>>) target(%dma_start3A_350 : memref<16xi32, #tpu.memory_space<hbm>>) target_semaphore(%run_scoped3A : memref<!tpu.dma_semaphore, #tpu.memory_space<semaphore_mem>>)
        %dma_wait3A = tpu.memref_slice %arg4[%mul3A_4] : memref<256xi32, #tpu.memory_space<hbm>> -> memref<16xi32, #tpu.memory_space<hbm>>
        %dma_wait3A_351 = tpu.memref_slice %arg4[%mul3A_4] : memref<256xi32, #tpu.memory_space<hbm>> -> memref<16xi32, #tpu.memory_space<hbm>>
        tpu.wait_dma2 semaphore(%run_scoped3A : memref<!tpu.dma_semaphore, #tpu.memory_space<semaphore_mem>>) src(%arg9 : memref<16xi32, #tpu.memory_space<vmem>>) dst(%dma_wait3A_351 : memref<16xi32, #tpu.memory_space<hbm>>)
        tpu.yield
      }) : () -> ()
      "tpu.region"() ({
        %run_scoped3A = tpu.sem_alloc : memref<!tpu.dma_semaphore, #tpu.memory_space<semaphore_mem>>
        %dma_start3A = tpu.memref_slice %arg5[%mul3A_4] : memref<256xf32, #tpu.memory_space<hbm>> -> memref<16xf32, #tpu.memory_space<hbm>>
        %dma_start3A_350 = tpu.memref_slice %arg5[%mul3A_4] : memref<256xf32, #tpu.memory_space<hbm>> -> memref<16xf32, #tpu.memory_space<hbm>>
        tpu.enqueue_dma source(%arg10 : memref<16xf32, #tpu.memory_space<vmem>>) target(%dma_start3A_350 : memref<16xf32, #tpu.memory_space<hbm>>) target_semaphore(%run_scoped3A : memref<!tpu.dma_semaphore, #tpu.memory_space<semaphore_mem>>)
        %dma_wait3A = tpu.memref_slice %arg5[%mul3A_4] : memref<256xf32, #tpu.memory_space<hbm>> -> memref<16xf32, #tpu.memory_space<hbm>>
        %dma_wait3A_351 = tpu.memref_slice %arg5[%mul3A_4] : memref<256xf32, #tpu.memory_space<hbm>> -> memref<16xf32, #tpu.memory_space<hbm>>
        tpu.wait_dma2 semaphore(%run_scoped3A : memref<!tpu.dma_semaphore, #tpu.memory_space<semaphore_mem>>) src(%arg10 : memref<16xf32, #tpu.memory_space<vmem>>) dst(%dma_wait3A_351 : memref<16xf32, #tpu.memory_space<hbm>>)
        tpu.yield
      }) : () -> ()
      "tpu.region"() ({
        %run_scoped3A = tpu.sem_alloc : memref<!tpu.dma_semaphore, #tpu.memory_space<semaphore_mem>>
        %dma_start3A = tpu.memref_slice %arg6[%mul3A_4] : memref<256xf32, #tpu.memory_space<hbm>> -> memref<16xf32, #tpu.memory_space<hbm>>
        %dma_start3A_350 = tpu.memref_slice %arg6[%mul3A_4] : memref<256xf32, #tpu.memory_space<hbm>> -> memref<16xf32, #tpu.memory_space<hbm>>
        tpu.enqueue_dma source(%arg11 : memref<16xf32, #tpu.memory_space<vmem>>) target(%dma_start3A_350 : memref<16xf32, #tpu.memory_space<hbm>>) target_semaphore(%run_scoped3A : memref<!tpu.dma_semaphore, #tpu.memory_space<semaphore_mem>>)
        %dma_wait3A = tpu.memref_slice %arg6[%mul3A_4] : memref<256xf32, #tpu.memory_space<hbm>> -> memref<16xf32, #tpu.memory_space<hbm>>
        %dma_wait3A_351 = tpu.memref_slice %arg6[%mul3A_4] : memref<256xf32, #tpu.memory_space<hbm>> -> memref<16xf32, #tpu.memory_space<hbm>>
        tpu.wait_dma2 semaphore(%run_scoped3A : memref<!tpu.dma_semaphore, #tpu.memory_space<semaphore_mem>>) src(%arg11 : memref<16xf32, #tpu.memory_space<vmem>>) dst(%dma_wait3A_351 : memref<16xf32, #tpu.memory_space<hbm>>)
        tpu.yield
      }) : () -> ()
    } else {
    }
    return
  }
}

module attributes {stable_mosaic.version = 14 : i64} {
  func.func @_attn_body(%arg0: memref<256x1024xf32, #tpu.memory_space<vmem>>, %arg1: memref<256x1xf32, #tpu.memory_space<vmem>>, %arg2: memref<1x1024xf32, #tpu.memory_space<vmem>>, %arg3: memref<1024x1536xf32, #tpu.memory_space<vmem>>, %arg4: memref<1x64xf32, #tpu.memory_space<vmem>>, %arg5: memref<1x64xf32, #tpu.memory_space<vmem>>, %arg6: memref<1024x1024xf32, #tpu.memory_space<vmem>>, %arg7: memref<1x1024xf32, #tpu.memory_space<vmem>>, %arg8: memref<16x1024xf32, #tpu.memory_space<vmem>>, %arg9: memref<256x1024xf32, #tpu.memory_space<vmem>>, %arg10: memref<256x1024xf32, #tpu.memory_space<vmem>>, %arg11: memref<16x16x16xf32, #tpu.memory_space<vmem>>) attributes {dimension_semantics = [], scalar_prefetch = 0 : i64, scratch_operands = 0 : i64, tpu.core_type = #tpu.core_type<tc>} {
    %get3A = arith.constant 0 : index
    %get3A_0 = arith.constant 0 : index
    %get3A_1 = vector.load %arg0[%get3A, %get3A_0] : memref<256x1024xf32, #tpu.memory_space<vmem>>, vector<256x1024xf32>
    %get3A_2 = arith.constant 0 : index
    %get3A_3 = arith.constant 0 : index
    %get3A_4 = vector.load %arg2[%get3A_2, %get3A_3] : memref<1x1024xf32, #tpu.memory_space<vmem>>, vector<1x1024xf32>
    %mul3A = arith.mulf %get3A_1, %get3A_1 : vector<256x1024xf32>
    %reduce_sum3A = arith.constant dense<0.000000e+00> : vector<256xf32>
    %reduce_sum3A_5 = vector.multi_reduction <add>, %mul3A, %reduce_sum3A [1] : vector<256x1024xf32> to vector<256xf32>
    %broadcast_in_dim3A = vector.shape_cast %reduce_sum3A_5 : vector<256xf32> to vector<256x1xf32>
    %div3A = arith.constant 1.024000e+03 : f32
    %div3A_6 = vector.broadcast %div3A : f32 to vector<256x1xf32>
    %div3A_7 = arith.divf %broadcast_in_dim3A, %div3A_6 : vector<256x1xf32>
    %add3A = arith.constant 9.99999997E-7 : f32
    %add3A_8 = vector.broadcast %add3A : f32 to vector<256x1xf32>
    %add3A_9 = arith.addf %div3A_7, %add3A_8 : vector<256x1xf32>
    %rsqrt3A = math.rsqrt %add3A_9 : vector<256x1xf32>
    %mul3A_10 = vector.broadcast %rsqrt3A : vector<256x1xf32> to vector<256x1024xf32>
    %mul3A_11 = arith.mulf %get3A_1, %mul3A_10 : vector<256x1024xf32>
    %mul3A_12 = vector.broadcast %get3A_4 : vector<1x1024xf32> to vector<256x1024xf32>
    %mul3A_13 = arith.mulf %mul3A_11, %mul3A_12 : vector<256x1024xf32>
    %get3A_14 = arith.constant 0 : index
    %get3A_15 = arith.constant 0 : index
    %get3A_16 = vector.load %arg3[%get3A_14, %get3A_15] : memref<1024x1536xf32, #tpu.memory_space<vmem>>, vector<1024x1536xf32>
    %dot_general3A = arith.constant dense<0.000000e+00> : vector<256x1536xf32>
    %dot_general3A_17 = tpu.matmul %mul3A_13, %get3A_16, %dot_general3A {dimension_numbers = #tpu.dot_dimension_numbers<[1], [0], [0], [1], [0, 0, 1, 1], [], []>, transpose_lhs_hint = false} : vector<256x1024xf32>, vector<1024x1536xf32>, vector<256x1536xf32> -> vector<256x1536xf32>
    %iota3A = tpu.iota {dimensions = array<i32: 0>} : vector<1536x20xi32>
    %jit3A = arith.constant 64 : i32
    %div3A_18 = vector.broadcast %jit3A : i32 to vector<1536x20xi32>
    %div3A_19 = arith.divsi %iota3A, %div3A_18 : vector<1536x20xi32>
    %sign3A = arith.constant 0 : i32
    %sign3A_20 = vector.broadcast %sign3A : i32 to vector<1536x20xi32>
    %sign3A_21 = arith.cmpi sgt, %iota3A, %sign3A_20 : vector<1536x20xi32>
    %sign3A_22 = arith.extui %sign3A_21 : vector<1536x20xi1> to vector<1536x20xi32>
    %sign3A_23 = arith.constant 0 : i32
    %sign3A_24 = vector.broadcast %sign3A_23 : i32 to vector<1536x20xi32>
    %sign3A_25 = arith.cmpi slt, %iota3A, %sign3A_24 : vector<1536x20xi32>
    %sign3A_26 = arith.extui %sign3A_25 : vector<1536x20xi1> to vector<1536x20xi32>
    %sign3A_27 = arith.subi %sign3A_22, %sign3A_26 : vector<1536x20xi32>
    %sign3A_28 = arith.constant 0 : i32
    %sign3A_29 = arith.cmpi sgt, %jit3A, %sign3A_28 : i32
    %sign3A_30 = arith.extui %sign3A_29 : i1 to i32
    %sign3A_31 = arith.constant 0 : i32
    %sign3A_32 = arith.cmpi slt, %jit3A, %sign3A_31 : i32
    %sign3A_33 = arith.extui %sign3A_32 : i1 to i32
    %sign3A_34 = arith.subi %sign3A_30, %sign3A_33 : i32
    %ne3A = vector.broadcast %sign3A_34 : i32 to vector<1536x20xi32>
    %ne3A_35 = arith.cmpi ne, %sign3A_27, %ne3A : vector<1536x20xi32>
    %rem3A = vector.broadcast %jit3A : i32 to vector<1536x20xi32>
    %rem3A_36 = arith.remsi %iota3A, %rem3A : vector<1536x20xi32>
    %ne3A_37 = arith.constant 0 : i32
    %ne3A_38 = vector.broadcast %ne3A_37 : i32 to vector<1536x20xi32>
    %ne3A_39 = arith.cmpi ne, %rem3A_36, %ne3A_38 : vector<1536x20xi32>
    %and3A = arith.andi %ne3A_35, %ne3A_39 : vector<1536x20xi1>
    %sub3A = arith.constant 1 : i32
    %sub3A_40 = vector.broadcast %sub3A : i32 to vector<1536x20xi32>
    %sub3A_41 = arith.subi %div3A_19, %sub3A_40 : vector<1536x20xi32>
    %select_n3A = arith.select %and3A, %sub3A_41, %div3A_19 : vector<1536x20xi1>, vector<1536x20xi32>
    %iota3A_42 = tpu.iota {dimensions = array<i32: 1>} : vector<1536x20xi32>
    %eq3A = arith.cmpi eq, %select_n3A, %iota3A_42 : vector<1536x20xi32>
    %convert_element_type3A = arith.extui %eq3A : vector<1536x20xi1> to vector<1536x20xi32>
    %convert_element_type3A_43 = arith.sitofp %convert_element_type3A : vector<1536x20xi32> to vector<1536x20xf32>
    %mul3A_44 = arith.mulf %dot_general3A_17, %dot_general3A_17 : vector<256x1536xf32>
    %dot_general3A_45 = arith.constant dense<0.000000e+00> : vector<256x20xf32>
    %dot_general3A_46 = tpu.matmul %mul3A_44, %convert_element_type3A_43, %dot_general3A_45 {dimension_numbers = #tpu.dot_dimension_numbers<[1], [0], [0], [1], [0, 0, 1, 1], [], []>, transpose_lhs_hint = false} : vector<256x1536xf32>, vector<1536x20xf32>, vector<256x20xf32> -> vector<256x20xf32>
    %mul3A_47 = arith.constant 1.562500e-02 : f32
    %mul3A_48 = vector.broadcast %mul3A_47 : f32 to vector<256x20xf32>
    %mul3A_49 = arith.mulf %dot_general3A_46, %mul3A_48 : vector<256x20xf32>
    %add3A_50 = arith.constant 9.99999997E-7 : f32
    %add3A_51 = vector.broadcast %add3A_50 : f32 to vector<256x20xf32>
    %add3A_52 = arith.addf %mul3A_49, %add3A_51 : vector<256x20xf32>
    %rsqrt3A_53 = math.rsqrt %add3A_52 : vector<256x20xf32>
    %get3A_54 = arith.constant 0 : index
    %get3A_55 = arith.constant 0 : index
    %get3A_56 = vector.load %arg4[%get3A_54, %get3A_55] : memref<1x64xf32, #tpu.memory_space<vmem>>, vector<1x64xf32>
    %get3A_57 = arith.constant 0 : index
    %get3A_58 = arith.constant 0 : index
    %get3A_59 = vector.load %arg5[%get3A_57, %get3A_58] : memref<1x64xf32, #tpu.memory_space<vmem>>, vector<1x64xf32>
    %concatenate3A = tpu.concatenate %get3A_56, %get3A_56, %get3A_56, %get3A_56, %get3A_56, %get3A_56, %get3A_56, %get3A_56, %get3A_56, %get3A_56, %get3A_56, %get3A_56, %get3A_56, %get3A_56, %get3A_56, %get3A_56, %get3A_59, %get3A_59, %get3A_59, %get3A_59 in 1 : vector<1x64xf32>, vector<1x64xf32>, vector<1x64xf32>, vector<1x64xf32>, vector<1x64xf32>, vector<1x64xf32>, vector<1x64xf32>, vector<1x64xf32>, vector<1x64xf32>, vector<1x64xf32>, vector<1x64xf32>, vector<1x64xf32>, vector<1x64xf32>, vector<1x64xf32>, vector<1x64xf32>, vector<1x64xf32>, vector<1x64xf32>, vector<1x64xf32>, vector<1x64xf32>, vector<1x64xf32> -> vector<1x1280xf32>
    %slice3A = vector.extract_strided_slice %dot_general3A_17 {offsets = [0, 0], sizes = [256, 1280], strides = [1, 1]} : vector<256x1536xf32> to vector<256x1280xf32>
    %mul3A_60 = vector.broadcast %concatenate3A : vector<1x1280xf32> to vector<256x1280xf32>
    %mul3A_61 = arith.mulf %slice3A, %mul3A_60 : vector<256x1280xf32>
    %get3A_62 = arith.constant 0 : index
    %get3A_63 = arith.constant 0 : index
    %get3A_64 = vector.load %arg1[%get3A_62, %get3A_63] : memref<256x1xf32, #tpu.memory_space<vmem>>, vector<256x1xf32>
    %iota3A_65 = tpu.iota {dimensions = array<i32: 1>} : vector<1x32xi32>
    %convert_element_type3A_66 = arith.sitofp %iota3A_65 : vector<1x32xi32> to vector<1x32xf32>
    %mul3A_67 = arith.constant -0.431734711 : f32
    %mul3A_68 = vector.broadcast %mul3A_67 : f32 to vector<1x32xf32>
    %mul3A_69 = arith.mulf %convert_element_type3A_66, %mul3A_68 : vector<1x32xf32>
    %exp3A = math.exp %mul3A_69 : vector<1x32xf32>
    %mul3A_70 = vector.broadcast %get3A_64 : vector<256x1xf32> to vector<256x32xf32>
    %mul3A_71 = vector.broadcast %exp3A : vector<1x32xf32> to vector<256x32xf32>
    %mul3A_72 = arith.mulf %mul3A_70, %mul3A_71 : vector<256x32xf32>
    %cos3A = math.cos %mul3A_72 : vector<256x32xf32>
    %sin3A = math.sin %mul3A_72 : vector<256x32xf32>
    %iota3A_73 = tpu.iota {dimensions = array<i32: 0>} : vector<256x256xi32>
    %iota3A_74 = tpu.iota {dimensions = array<i32: 1>} : vector<256x256xi32>
    %le3A = arith.cmpi sle, %iota3A_74, %iota3A_73 : vector<256x256xi32>
    %slice3A_75 = vector.extract_strided_slice %mul3A_61 {offsets = [0, 1024], sizes = [256, 64], strides = [1, 1]} : vector<256x1280xf32> to vector<256x64xf32>
    %slice3A_76 = vector.extract_strided_slice %rsqrt3A_53 {offsets = [0, 16], sizes = [256, 1], strides = [1, 1]} : vector<256x20xf32> to vector<256x1xf32>
    %mul3A_77 = vector.broadcast %slice3A_76 : vector<256x1xf32> to vector<256x64xf32>
    %mul3A_78 = arith.mulf %slice3A_75, %mul3A_77 : vector<256x64xf32>
    %slice3A_79 = vector.extract_strided_slice %mul3A_78 {offsets = [0, 0], sizes = [256, 32], strides = [1, 1]} : vector<256x64xf32> to vector<256x32xf32>
    %slice3A_80 = vector.extract_strided_slice %mul3A_78 {offsets = [0, 32], sizes = [256, 32], strides = [1, 1]} : vector<256x64xf32> to vector<256x32xf32>
    %mul3A_81 = arith.mulf %slice3A_79, %cos3A : vector<256x32xf32>
    %mul3A_82 = arith.mulf %slice3A_80, %sin3A : vector<256x32xf32>
    %sub3A_83 = arith.subf %mul3A_81, %mul3A_82 : vector<256x32xf32>
    %mul3A_84 = arith.mulf %slice3A_80, %cos3A : vector<256x32xf32>
    %mul3A_85 = arith.mulf %slice3A_79, %sin3A : vector<256x32xf32>
    %add3A_86 = arith.addf %mul3A_84, %mul3A_85 : vector<256x32xf32>
    %concatenate3A_87 = tpu.concatenate %sub3A_83, %add3A_86 in 1 : vector<256x32xf32>, vector<256x32xf32> -> vector<256x64xf32>
    %slice3A_88 = vector.extract_strided_slice %dot_general3A_17 {offsets = [0, 1280], sizes = [256, 64], strides = [1, 1]} : vector<256x1536xf32> to vector<256x64xf32>
    %slice3A_89 = vector.extract_strided_slice %mul3A_61 {offsets = [0, 1088], sizes = [256, 64], strides = [1, 1]} : vector<256x1280xf32> to vector<256x64xf32>
    %slice3A_90 = vector.extract_strided_slice %rsqrt3A_53 {offsets = [0, 17], sizes = [256, 1], strides = [1, 1]} : vector<256x20xf32> to vector<256x1xf32>
    %mul3A_91 = vector.broadcast %slice3A_90 : vector<256x1xf32> to vector<256x64xf32>
    %mul3A_92 = arith.mulf %slice3A_89, %mul3A_91 : vector<256x64xf32>
    %slice3A_93 = vector.extract_strided_slice %mul3A_92 {offsets = [0, 0], sizes = [256, 32], strides = [1, 1]} : vector<256x64xf32> to vector<256x32xf32>
    %slice3A_94 = vector.extract_strided_slice %mul3A_92 {offsets = [0, 32], sizes = [256, 32], strides = [1, 1]} : vector<256x64xf32> to vector<256x32xf32>
    %mul3A_95 = arith.mulf %slice3A_93, %cos3A : vector<256x32xf32>
    %mul3A_96 = arith.mulf %slice3A_94, %sin3A : vector<256x32xf32>
    %sub3A_97 = arith.subf %mul3A_95, %mul3A_96 : vector<256x32xf32>
    %mul3A_98 = arith.mulf %slice3A_94, %cos3A : vector<256x32xf32>
    %mul3A_99 = arith.mulf %slice3A_93, %sin3A : vector<256x32xf32>
    %add3A_100 = arith.addf %mul3A_98, %mul3A_99 : vector<256x32xf32>
    %concatenate3A_101 = tpu.concatenate %sub3A_97, %add3A_100 in 1 : vector<256x32xf32>, vector<256x32xf32> -> vector<256x64xf32>
    %slice3A_102 = vector.extract_strided_slice %dot_general3A_17 {offsets = [0, 1344], sizes = [256, 64], strides = [1, 1]} : vector<256x1536xf32> to vector<256x64xf32>
    %slice3A_103 = vector.extract_strided_slice %mul3A_61 {offsets = [0, 1152], sizes = [256, 64], strides = [1, 1]} : vector<256x1280xf32> to vector<256x64xf32>
    %slice3A_104 = vector.extract_strided_slice %rsqrt3A_53 {offsets = [0, 18], sizes = [256, 1], strides = [1, 1]} : vector<256x20xf32> to vector<256x1xf32>
    %mul3A_105 = vector.broadcast %slice3A_104 : vector<256x1xf32> to vector<256x64xf32>
    %mul3A_106 = arith.mulf %slice3A_103, %mul3A_105 : vector<256x64xf32>
    %slice3A_107 = vector.extract_strided_slice %mul3A_106 {offsets = [0, 0], sizes = [256, 32], strides = [1, 1]} : vector<256x64xf32> to vector<256x32xf32>
    %slice3A_108 = vector.extract_strided_slice %mul3A_106 {offsets = [0, 32], sizes = [256, 32], strides = [1, 1]} : vector<256x64xf32> to vector<256x32xf32>
    %mul3A_109 = arith.mulf %slice3A_107, %cos3A : vector<256x32xf32>
    %mul3A_110 = arith.mulf %slice3A_108, %sin3A : vector<256x32xf32>
    %sub3A_111 = arith.subf %mul3A_109, %mul3A_110 : vector<256x32xf32>
    %mul3A_112 = arith.mulf %slice3A_108, %cos3A : vector<256x32xf32>
    %mul3A_113 = arith.mulf %slice3A_107, %sin3A : vector<256x32xf32>
    %add3A_114 = arith.addf %mul3A_112, %mul3A_113 : vector<256x32xf32>
    %concatenate3A_115 = tpu.concatenate %sub3A_111, %add3A_114 in 1 : vector<256x32xf32>, vector<256x32xf32> -> vector<256x64xf32>
    %slice3A_116 = vector.extract_strided_slice %dot_general3A_17 {offsets = [0, 1408], sizes = [256, 64], strides = [1, 1]} : vector<256x1536xf32> to vector<256x64xf32>
    %slice3A_117 = vector.extract_strided_slice %mul3A_61 {offsets = [0, 1216], sizes = [256, 64], strides = [1, 1]} : vector<256x1280xf32> to vector<256x64xf32>
    %slice3A_118 = vector.extract_strided_slice %rsqrt3A_53 {offsets = [0, 19], sizes = [256, 1], strides = [1, 1]} : vector<256x20xf32> to vector<256x1xf32>
    %mul3A_119 = vector.broadcast %slice3A_118 : vector<256x1xf32> to vector<256x64xf32>
    %mul3A_120 = arith.mulf %slice3A_117, %mul3A_119 : vector<256x64xf32>
    %slice3A_121 = vector.extract_strided_slice %mul3A_120 {offsets = [0, 0], sizes = [256, 32], strides = [1, 1]} : vector<256x64xf32> to vector<256x32xf32>
    %slice3A_122 = vector.extract_strided_slice %mul3A_120 {offsets = [0, 32], sizes = [256, 32], strides = [1, 1]} : vector<256x64xf32> to vector<256x32xf32>
    %mul3A_123 = arith.mulf %slice3A_121, %cos3A : vector<256x32xf32>
    %mul3A_124 = arith.mulf %slice3A_122, %sin3A : vector<256x32xf32>
    %sub3A_125 = arith.subf %mul3A_123, %mul3A_124 : vector<256x32xf32>
    %mul3A_126 = arith.mulf %slice3A_122, %cos3A : vector<256x32xf32>
    %mul3A_127 = arith.mulf %slice3A_121, %sin3A : vector<256x32xf32>
    %add3A_128 = arith.addf %mul3A_126, %mul3A_127 : vector<256x32xf32>
    %concatenate3A_129 = tpu.concatenate %sub3A_125, %add3A_128 in 1 : vector<256x32xf32>, vector<256x32xf32> -> vector<256x64xf32>
    %slice3A_130 = vector.extract_strided_slice %dot_general3A_17 {offsets = [0, 1472], sizes = [256, 64], strides = [1, 1]} : vector<256x1536xf32> to vector<256x64xf32>
    %slice3A_131 = vector.extract_strided_slice %mul3A_61 {offsets = [0, 0], sizes = [256, 64], strides = [1, 1]} : vector<256x1280xf32> to vector<256x64xf32>
    %slice3A_132 = vector.extract_strided_slice %rsqrt3A_53 {offsets = [0, 0], sizes = [256, 1], strides = [1, 1]} : vector<256x20xf32> to vector<256x1xf32>
    %mul3A_133 = vector.broadcast %slice3A_132 : vector<256x1xf32> to vector<256x64xf32>
    %mul3A_134 = arith.mulf %slice3A_131, %mul3A_133 : vector<256x64xf32>
    %slice3A_135 = vector.extract_strided_slice %mul3A_134 {offsets = [0, 0], sizes = [256, 32], strides = [1, 1]} : vector<256x64xf32> to vector<256x32xf32>
    %slice3A_136 = vector.extract_strided_slice %mul3A_134 {offsets = [0, 32], sizes = [256, 32], strides = [1, 1]} : vector<256x64xf32> to vector<256x32xf32>
    %mul3A_137 = arith.mulf %slice3A_135, %cos3A : vector<256x32xf32>
    %mul3A_138 = arith.mulf %slice3A_136, %sin3A : vector<256x32xf32>
    %sub3A_139 = arith.subf %mul3A_137, %mul3A_138 : vector<256x32xf32>
    %mul3A_140 = arith.mulf %slice3A_136, %cos3A : vector<256x32xf32>
    %mul3A_141 = arith.mulf %slice3A_135, %sin3A : vector<256x32xf32>
    %add3A_142 = arith.addf %mul3A_140, %mul3A_141 : vector<256x32xf32>
    %concatenate3A_143 = tpu.concatenate %sub3A_139, %add3A_142 in 1 : vector<256x32xf32>, vector<256x32xf32> -> vector<256x64xf32>
    %dot_general3A_144 = arith.constant dense<0.000000e+00> : vector<256x256xf32>
    %dot_general3A_145 = tpu.matmul %concatenate3A_143, %concatenate3A_87, %dot_general3A_144 {dimension_numbers = #tpu.dot_dimension_numbers<[1], [1], [0], [0], [0, 0, 1, 0], [], []>, transpose_lhs_hint = false} : vector<256x64xf32>, vector<256x64xf32>, vector<256x256xf32> -> vector<256x256xf32>
    %mul3A_146 = arith.constant 1.250000e-01 : f32
    %mul3A_147 = vector.broadcast %mul3A_146 : f32 to vector<256x256xf32>
    %mul3A_148 = arith.mulf %dot_general3A_145, %mul3A_147 : vector<256x256xf32>
    %jit3A_149 = arith.constant -1.000000e+30 : f32
    %broadcast_in_dim3A_150 = vector.broadcast %jit3A_149 : f32 to vector<256x256xf32>
    %select_n3A_151 = arith.select %le3A, %mul3A_148, %broadcast_in_dim3A_150 : vector<256x256xi1>, vector<256x256xf32>
    %reduce_max3A = arith.constant dense<0xFF800000> : vector<256xf32>
    %reduce_max3A_152 = vector.multi_reduction <maximumf>, %select_n3A_151, %reduce_max3A [1] : vector<256x256xf32> to vector<256xf32>
    %broadcast_in_dim3A_153 = vector.shape_cast %reduce_max3A_152 : vector<256xf32> to vector<256x1xf32>
    %sub3A_154 = vector.broadcast %broadcast_in_dim3A_153 : vector<256x1xf32> to vector<256x256xf32>
    %sub3A_155 = arith.subf %select_n3A_151, %sub3A_154 : vector<256x256xf32>
    %exp3A_156 = math.exp %sub3A_155 : vector<256x256xf32>
    %reduce_sum3A_157 = arith.constant dense<0.000000e+00> : vector<256xf32>
    %reduce_sum3A_158 = vector.multi_reduction <add>, %exp3A_156, %reduce_sum3A_157 [1] : vector<256x256xf32> to vector<256xf32>
    %broadcast_in_dim3A_159 = vector.shape_cast %reduce_sum3A_158 : vector<256xf32> to vector<256x1xf32>
    %div3A_160 = vector.broadcast %broadcast_in_dim3A_159 : vector<256x1xf32> to vector<256x256xf32>
    %div3A_161 = arith.divf %exp3A_156, %div3A_160 : vector<256x256xf32>
    %dot_general3A_162 = arith.constant dense<0.000000e+00> : vector<256x64xf32>
    %dot_general3A_163 = tpu.matmul %div3A_161, %slice3A_88, %dot_general3A_162 {dimension_numbers = #tpu.dot_dimension_numbers<[1], [0], [0], [1], [0, 0, 1, 1], [], []>, transpose_lhs_hint = false} : vector<256x256xf32>, vector<256x64xf32>, vector<256x64xf32> -> vector<256x64xf32>
    %slice3A_164 = vector.extract_strided_slice %mul3A_61 {offsets = [0, 64], sizes = [256, 64], strides = [1, 1]} : vector<256x1280xf32> to vector<256x64xf32>
    %slice3A_165 = vector.extract_strided_slice %rsqrt3A_53 {offsets = [0, 1], sizes = [256, 1], strides = [1, 1]} : vector<256x20xf32> to vector<256x1xf32>
    %mul3A_166 = vector.broadcast %slice3A_165 : vector<256x1xf32> to vector<256x64xf32>
    %mul3A_167 = arith.mulf %slice3A_164, %mul3A_166 : vector<256x64xf32>
    %slice3A_168 = vector.extract_strided_slice %mul3A_167 {offsets = [0, 0], sizes = [256, 32], strides = [1, 1]} : vector<256x64xf32> to vector<256x32xf32>
    %slice3A_169 = vector.extract_strided_slice %mul3A_167 {offsets = [0, 32], sizes = [256, 32], strides = [1, 1]} : vector<256x64xf32> to vector<256x32xf32>
    %mul3A_170 = arith.mulf %slice3A_168, %cos3A : vector<256x32xf32>
    %mul3A_171 = arith.mulf %slice3A_169, %sin3A : vector<256x32xf32>
    %sub3A_172 = arith.subf %mul3A_170, %mul3A_171 : vector<256x32xf32>
    %mul3A_173 = arith.mulf %slice3A_169, %cos3A : vector<256x32xf32>
    %mul3A_174 = arith.mulf %slice3A_168, %sin3A : vector<256x32xf32>
    %add3A_175 = arith.addf %mul3A_173, %mul3A_174 : vector<256x32xf32>
    %concatenate3A_176 = tpu.concatenate %sub3A_172, %add3A_175 in 1 : vector<256x32xf32>, vector<256x32xf32> -> vector<256x64xf32>
    %dot_general3A_177 = arith.constant dense<0.000000e+00> : vector<256x256xf32>
    %dot_general3A_178 = tpu.matmul %concatenate3A_176, %concatenate3A_87, %dot_general3A_177 {dimension_numbers = #tpu.dot_dimension_numbers<[1], [1], [0], [0], [0, 0, 1, 0], [], []>, transpose_lhs_hint = false} : vector<256x64xf32>, vector<256x64xf32>, vector<256x256xf32> -> vector<256x256xf32>
    %mul3A_179 = arith.constant 1.250000e-01 : f32
    %mul3A_180 = vector.broadcast %mul3A_179 : f32 to vector<256x256xf32>
    %mul3A_181 = arith.mulf %dot_general3A_178, %mul3A_180 : vector<256x256xf32>
    %jit3A_182 = arith.constant -1.000000e+30 : f32
    %broadcast_in_dim3A_183 = vector.broadcast %jit3A_182 : f32 to vector<256x256xf32>
    %select_n3A_184 = arith.select %le3A, %mul3A_181, %broadcast_in_dim3A_183 : vector<256x256xi1>, vector<256x256xf32>
    %reduce_max3A_185 = arith.constant dense<0xFF800000> : vector<256xf32>
    %reduce_max3A_186 = vector.multi_reduction <maximumf>, %select_n3A_184, %reduce_max3A_185 [1] : vector<256x256xf32> to vector<256xf32>
    %broadcast_in_dim3A_187 = vector.shape_cast %reduce_max3A_186 : vector<256xf32> to vector<256x1xf32>
    %sub3A_188 = vector.broadcast %broadcast_in_dim3A_187 : vector<256x1xf32> to vector<256x256xf32>
    %sub3A_189 = arith.subf %select_n3A_184, %sub3A_188 : vector<256x256xf32>
    %exp3A_190 = math.exp %sub3A_189 : vector<256x256xf32>
    %reduce_sum3A_191 = arith.constant dense<0.000000e+00> : vector<256xf32>
    %reduce_sum3A_192 = vector.multi_reduction <add>, %exp3A_190, %reduce_sum3A_191 [1] : vector<256x256xf32> to vector<256xf32>
    %broadcast_in_dim3A_193 = vector.shape_cast %reduce_sum3A_192 : vector<256xf32> to vector<256x1xf32>
    %div3A_194 = vector.broadcast %broadcast_in_dim3A_193 : vector<256x1xf32> to vector<256x256xf32>
    %div3A_195 = arith.divf %exp3A_190, %div3A_194 : vector<256x256xf32>
    %dot_general3A_196 = arith.constant dense<0.000000e+00> : vector<256x64xf32>
    %dot_general3A_197 = tpu.matmul %div3A_195, %slice3A_88, %dot_general3A_196 {dimension_numbers = #tpu.dot_dimension_numbers<[1], [0], [0], [1], [0, 0, 1, 1], [], []>, transpose_lhs_hint = false} : vector<256x256xf32>, vector<256x64xf32>, vector<256x64xf32> -> vector<256x64xf32>
    %slice3A_198 = vector.extract_strided_slice %mul3A_61 {offsets = [0, 128], sizes = [256, 64], strides = [1, 1]} : vector<256x1280xf32> to vector<256x64xf32>
    %slice3A_199 = vector.extract_strided_slice %rsqrt3A_53 {offsets = [0, 2], sizes = [256, 1], strides = [1, 1]} : vector<256x20xf32> to vector<256x1xf32>
    %mul3A_200 = vector.broadcast %slice3A_199 : vector<256x1xf32> to vector<256x64xf32>
    %mul3A_201 = arith.mulf %slice3A_198, %mul3A_200 : vector<256x64xf32>
    %slice3A_202 = vector.extract_strided_slice %mul3A_201 {offsets = [0, 0], sizes = [256, 32], strides = [1, 1]} : vector<256x64xf32> to vector<256x32xf32>
    %slice3A_203 = vector.extract_strided_slice %mul3A_201 {offsets = [0, 32], sizes = [256, 32], strides = [1, 1]} : vector<256x64xf32> to vector<256x32xf32>
    %mul3A_204 = arith.mulf %slice3A_202, %cos3A : vector<256x32xf32>
    %mul3A_205 = arith.mulf %slice3A_203, %sin3A : vector<256x32xf32>
    %sub3A_206 = arith.subf %mul3A_204, %mul3A_205 : vector<256x32xf32>
    %mul3A_207 = arith.mulf %slice3A_203, %cos3A : vector<256x32xf32>
    %mul3A_208 = arith.mulf %slice3A_202, %sin3A : vector<256x32xf32>
    %add3A_209 = arith.addf %mul3A_207, %mul3A_208 : vector<256x32xf32>
    %concatenate3A_210 = tpu.concatenate %sub3A_206, %add3A_209 in 1 : vector<256x32xf32>, vector<256x32xf32> -> vector<256x64xf32>
    %dot_general3A_211 = arith.constant dense<0.000000e+00> : vector<256x256xf32>
    %dot_general3A_212 = tpu.matmul %concatenate3A_210, %concatenate3A_87, %dot_general3A_211 {dimension_numbers = #tpu.dot_dimension_numbers<[1], [1], [0], [0], [0, 0, 1, 0], [], []>, transpose_lhs_hint = false} : vector<256x64xf32>, vector<256x64xf32>, vector<256x256xf32> -> vector<256x256xf32>
    %mul3A_213 = arith.constant 1.250000e-01 : f32
    %mul3A_214 = vector.broadcast %mul3A_213 : f32 to vector<256x256xf32>
    %mul3A_215 = arith.mulf %dot_general3A_212, %mul3A_214 : vector<256x256xf32>
    %jit3A_216 = arith.constant -1.000000e+30 : f32
    %broadcast_in_dim3A_217 = vector.broadcast %jit3A_216 : f32 to vector<256x256xf32>
    %select_n3A_218 = arith.select %le3A, %mul3A_215, %broadcast_in_dim3A_217 : vector<256x256xi1>, vector<256x256xf32>
    %reduce_max3A_219 = arith.constant dense<0xFF800000> : vector<256xf32>
    %reduce_max3A_220 = vector.multi_reduction <maximumf>, %select_n3A_218, %reduce_max3A_219 [1] : vector<256x256xf32> to vector<256xf32>
    %broadcast_in_dim3A_221 = vector.shape_cast %reduce_max3A_220 : vector<256xf32> to vector<256x1xf32>
    %sub3A_222 = vector.broadcast %broadcast_in_dim3A_221 : vector<256x1xf32> to vector<256x256xf32>
    %sub3A_223 = arith.subf %select_n3A_218, %sub3A_222 : vector<256x256xf32>
    %exp3A_224 = math.exp %sub3A_223 : vector<256x256xf32>
    %reduce_sum3A_225 = arith.constant dense<0.000000e+00> : vector<256xf32>
    %reduce_sum3A_226 = vector.multi_reduction <add>, %exp3A_224, %reduce_sum3A_225 [1] : vector<256x256xf32> to vector<256xf32>
    %broadcast_in_dim3A_227 = vector.shape_cast %reduce_sum3A_226 : vector<256xf32> to vector<256x1xf32>
    %div3A_228 = vector.broadcast %broadcast_in_dim3A_227 : vector<256x1xf32> to vector<256x256xf32>
    %div3A_229 = arith.divf %exp3A_224, %div3A_228 : vector<256x256xf32>
    %dot_general3A_230 = arith.constant dense<0.000000e+00> : vector<256x64xf32>
    %dot_general3A_231 = tpu.matmul %div3A_229, %slice3A_88, %dot_general3A_230 {dimension_numbers = #tpu.dot_dimension_numbers<[1], [0], [0], [1], [0, 0, 1, 1], [], []>, transpose_lhs_hint = false} : vector<256x256xf32>, vector<256x64xf32>, vector<256x64xf32> -> vector<256x64xf32>
    %slice3A_232 = vector.extract_strided_slice %mul3A_61 {offsets = [0, 192], sizes = [256, 64], strides = [1, 1]} : vector<256x1280xf32> to vector<256x64xf32>
    %slice3A_233 = vector.extract_strided_slice %rsqrt3A_53 {offsets = [0, 3], sizes = [256, 1], strides = [1, 1]} : vector<256x20xf32> to vector<256x1xf32>
    %mul3A_234 = vector.broadcast %slice3A_233 : vector<256x1xf32> to vector<256x64xf32>
    %mul3A_235 = arith.mulf %slice3A_232, %mul3A_234 : vector<256x64xf32>
    %slice3A_236 = vector.extract_strided_slice %mul3A_235 {offsets = [0, 0], sizes = [256, 32], strides = [1, 1]} : vector<256x64xf32> to vector<256x32xf32>
    %slice3A_237 = vector.extract_strided_slice %mul3A_235 {offsets = [0, 32], sizes = [256, 32], strides = [1, 1]} : vector<256x64xf32> to vector<256x32xf32>
    %mul3A_238 = arith.mulf %slice3A_236, %cos3A : vector<256x32xf32>
    %mul3A_239 = arith.mulf %slice3A_237, %sin3A : vector<256x32xf32>
    %sub3A_240 = arith.subf %mul3A_238, %mul3A_239 : vector<256x32xf32>
    %mul3A_241 = arith.mulf %slice3A_237, %cos3A : vector<256x32xf32>
    %mul3A_242 = arith.mulf %slice3A_236, %sin3A : vector<256x32xf32>
    %add3A_243 = arith.addf %mul3A_241, %mul3A_242 : vector<256x32xf32>
    %concatenate3A_244 = tpu.concatenate %sub3A_240, %add3A_243 in 1 : vector<256x32xf32>, vector<256x32xf32> -> vector<256x64xf32>
    %dot_general3A_245 = arith.constant dense<0.000000e+00> : vector<256x256xf32>
    %dot_general3A_246 = tpu.matmul %concatenate3A_244, %concatenate3A_87, %dot_general3A_245 {dimension_numbers = #tpu.dot_dimension_numbers<[1], [1], [0], [0], [0, 0, 1, 0], [], []>, transpose_lhs_hint = false} : vector<256x64xf32>, vector<256x64xf32>, vector<256x256xf32> -> vector<256x256xf32>
    %mul3A_247 = arith.constant 1.250000e-01 : f32
    %mul3A_248 = vector.broadcast %mul3A_247 : f32 to vector<256x256xf32>
    %mul3A_249 = arith.mulf %dot_general3A_246, %mul3A_248 : vector<256x256xf32>
    %jit3A_250 = arith.constant -1.000000e+30 : f32
    %broadcast_in_dim3A_251 = vector.broadcast %jit3A_250 : f32 to vector<256x256xf32>
    %select_n3A_252 = arith.select %le3A, %mul3A_249, %broadcast_in_dim3A_251 : vector<256x256xi1>, vector<256x256xf32>
    %reduce_max3A_253 = arith.constant dense<0xFF800000> : vector<256xf32>
    %reduce_max3A_254 = vector.multi_reduction <maximumf>, %select_n3A_252, %reduce_max3A_253 [1] : vector<256x256xf32> to vector<256xf32>
    %broadcast_in_dim3A_255 = vector.shape_cast %reduce_max3A_254 : vector<256xf32> to vector<256x1xf32>
    %sub3A_256 = vector.broadcast %broadcast_in_dim3A_255 : vector<256x1xf32> to vector<256x256xf32>
    %sub3A_257 = arith.subf %select_n3A_252, %sub3A_256 : vector<256x256xf32>
    %exp3A_258 = math.exp %sub3A_257 : vector<256x256xf32>
    %reduce_sum3A_259 = arith.constant dense<0.000000e+00> : vector<256xf32>
    %reduce_sum3A_260 = vector.multi_reduction <add>, %exp3A_258, %reduce_sum3A_259 [1] : vector<256x256xf32> to vector<256xf32>
    %broadcast_in_dim3A_261 = vector.shape_cast %reduce_sum3A_260 : vector<256xf32> to vector<256x1xf32>
    %div3A_262 = vector.broadcast %broadcast_in_dim3A_261 : vector<256x1xf32> to vector<256x256xf32>
    %div3A_263 = arith.divf %exp3A_258, %div3A_262 : vector<256x256xf32>
    %dot_general3A_264 = arith.constant dense<0.000000e+00> : vector<256x64xf32>
    %dot_general3A_265 = tpu.matmul %div3A_263, %slice3A_88, %dot_general3A_264 {dimension_numbers = #tpu.dot_dimension_numbers<[1], [0], [0], [1], [0, 0, 1, 1], [], []>, transpose_lhs_hint = false} : vector<256x256xf32>, vector<256x64xf32>, vector<256x64xf32> -> vector<256x64xf32>
    %slice3A_266 = vector.extract_strided_slice %mul3A_61 {offsets = [0, 256], sizes = [256, 64], strides = [1, 1]} : vector<256x1280xf32> to vector<256x64xf32>
    %slice3A_267 = vector.extract_strided_slice %rsqrt3A_53 {offsets = [0, 4], sizes = [256, 1], strides = [1, 1]} : vector<256x20xf32> to vector<256x1xf32>
    %mul3A_268 = vector.broadcast %slice3A_267 : vector<256x1xf32> to vector<256x64xf32>
    %mul3A_269 = arith.mulf %slice3A_266, %mul3A_268 : vector<256x64xf32>
    %slice3A_270 = vector.extract_strided_slice %mul3A_269 {offsets = [0, 0], sizes = [256, 32], strides = [1, 1]} : vector<256x64xf32> to vector<256x32xf32>
    %slice3A_271 = vector.extract_strided_slice %mul3A_269 {offsets = [0, 32], sizes = [256, 32], strides = [1, 1]} : vector<256x64xf32> to vector<256x32xf32>
    %mul3A_272 = arith.mulf %slice3A_270, %cos3A : vector<256x32xf32>
    %mul3A_273 = arith.mulf %slice3A_271, %sin3A : vector<256x32xf32>
    %sub3A_274 = arith.subf %mul3A_272, %mul3A_273 : vector<256x32xf32>
    %mul3A_275 = arith.mulf %slice3A_271, %cos3A : vector<256x32xf32>
    %mul3A_276 = arith.mulf %slice3A_270, %sin3A : vector<256x32xf32>
    %add3A_277 = arith.addf %mul3A_275, %mul3A_276 : vector<256x32xf32>
    %concatenate3A_278 = tpu.concatenate %sub3A_274, %add3A_277 in 1 : vector<256x32xf32>, vector<256x32xf32> -> vector<256x64xf32>
    %dot_general3A_279 = arith.constant dense<0.000000e+00> : vector<256x256xf32>
    %dot_general3A_280 = tpu.matmul %concatenate3A_278, %concatenate3A_101, %dot_general3A_279 {dimension_numbers = #tpu.dot_dimension_numbers<[1], [1], [0], [0], [0, 0, 1, 0], [], []>, transpose_lhs_hint = false} : vector<256x64xf32>, vector<256x64xf32>, vector<256x256xf32> -> vector<256x256xf32>
    %mul3A_281 = arith.constant 1.250000e-01 : f32
    %mul3A_282 = vector.broadcast %mul3A_281 : f32 to vector<256x256xf32>
    %mul3A_283 = arith.mulf %dot_general3A_280, %mul3A_282 : vector<256x256xf32>
    %jit3A_284 = arith.constant -1.000000e+30 : f32
    %broadcast_in_dim3A_285 = vector.broadcast %jit3A_284 : f32 to vector<256x256xf32>
    %select_n3A_286 = arith.select %le3A, %mul3A_283, %broadcast_in_dim3A_285 : vector<256x256xi1>, vector<256x256xf32>
    %reduce_max3A_287 = arith.constant dense<0xFF800000> : vector<256xf32>
    %reduce_max3A_288 = vector.multi_reduction <maximumf>, %select_n3A_286, %reduce_max3A_287 [1] : vector<256x256xf32> to vector<256xf32>
    %broadcast_in_dim3A_289 = vector.shape_cast %reduce_max3A_288 : vector<256xf32> to vector<256x1xf32>
    %sub3A_290 = vector.broadcast %broadcast_in_dim3A_289 : vector<256x1xf32> to vector<256x256xf32>
    %sub3A_291 = arith.subf %select_n3A_286, %sub3A_290 : vector<256x256xf32>
    %exp3A_292 = math.exp %sub3A_291 : vector<256x256xf32>
    %reduce_sum3A_293 = arith.constant dense<0.000000e+00> : vector<256xf32>
    %reduce_sum3A_294 = vector.multi_reduction <add>, %exp3A_292, %reduce_sum3A_293 [1] : vector<256x256xf32> to vector<256xf32>
    %broadcast_in_dim3A_295 = vector.shape_cast %reduce_sum3A_294 : vector<256xf32> to vector<256x1xf32>
    %div3A_296 = vector.broadcast %broadcast_in_dim3A_295 : vector<256x1xf32> to vector<256x256xf32>
    %div3A_297 = arith.divf %exp3A_292, %div3A_296 : vector<256x256xf32>
    %dot_general3A_298 = arith.constant dense<0.000000e+00> : vector<256x64xf32>
    %dot_general3A_299 = tpu.matmul %div3A_297, %slice3A_102, %dot_general3A_298 {dimension_numbers = #tpu.dot_dimension_numbers<[1], [0], [0], [1], [0, 0, 1, 1], [], []>, transpose_lhs_hint = false} : vector<256x256xf32>, vector<256x64xf32>, vector<256x64xf32> -> vector<256x64xf32>
    %slice3A_300 = vector.extract_strided_slice %mul3A_61 {offsets = [0, 320], sizes = [256, 64], strides = [1, 1]} : vector<256x1280xf32> to vector<256x64xf32>
    %slice3A_301 = vector.extract_strided_slice %rsqrt3A_53 {offsets = [0, 5], sizes = [256, 1], strides = [1, 1]} : vector<256x20xf32> to vector<256x1xf32>
    %mul3A_302 = vector.broadcast %slice3A_301 : vector<256x1xf32> to vector<256x64xf32>
    %mul3A_303 = arith.mulf %slice3A_300, %mul3A_302 : vector<256x64xf32>
    %slice3A_304 = vector.extract_strided_slice %mul3A_303 {offsets = [0, 0], sizes = [256, 32], strides = [1, 1]} : vector<256x64xf32> to vector<256x32xf32>
    %slice3A_305 = vector.extract_strided_slice %mul3A_303 {offsets = [0, 32], sizes = [256, 32], strides = [1, 1]} : vector<256x64xf32> to vector<256x32xf32>
    %mul3A_306 = arith.mulf %slice3A_304, %cos3A : vector<256x32xf32>
    %mul3A_307 = arith.mulf %slice3A_305, %sin3A : vector<256x32xf32>
    %sub3A_308 = arith.subf %mul3A_306, %mul3A_307 : vector<256x32xf32>
    %mul3A_309 = arith.mulf %slice3A_305, %cos3A : vector<256x32xf32>
    %mul3A_310 = arith.mulf %slice3A_304, %sin3A : vector<256x32xf32>
    %add3A_311 = arith.addf %mul3A_309, %mul3A_310 : vector<256x32xf32>
    %concatenate3A_312 = tpu.concatenate %sub3A_308, %add3A_311 in 1 : vector<256x32xf32>, vector<256x32xf32> -> vector<256x64xf32>
    %dot_general3A_313 = arith.constant dense<0.000000e+00> : vector<256x256xf32>
    %dot_general3A_314 = tpu.matmul %concatenate3A_312, %concatenate3A_101, %dot_general3A_313 {dimension_numbers = #tpu.dot_dimension_numbers<[1], [1], [0], [0], [0, 0, 1, 0], [], []>, transpose_lhs_hint = false} : vector<256x64xf32>, vector<256x64xf32>, vector<256x256xf32> -> vector<256x256xf32>
    %mul3A_315 = arith.constant 1.250000e-01 : f32
    %mul3A_316 = vector.broadcast %mul3A_315 : f32 to vector<256x256xf32>
    %mul3A_317 = arith.mulf %dot_general3A_314, %mul3A_316 : vector<256x256xf32>
    %jit3A_318 = arith.constant -1.000000e+30 : f32
    %broadcast_in_dim3A_319 = vector.broadcast %jit3A_318 : f32 to vector<256x256xf32>
    %select_n3A_320 = arith.select %le3A, %mul3A_317, %broadcast_in_dim3A_319 : vector<256x256xi1>, vector<256x256xf32>
    %reduce_max3A_321 = arith.constant dense<0xFF800000> : vector<256xf32>
    %reduce_max3A_322 = vector.multi_reduction <maximumf>, %select_n3A_320, %reduce_max3A_321 [1] : vector<256x256xf32> to vector<256xf32>
    %broadcast_in_dim3A_323 = vector.shape_cast %reduce_max3A_322 : vector<256xf32> to vector<256x1xf32>
    %sub3A_324 = vector.broadcast %broadcast_in_dim3A_323 : vector<256x1xf32> to vector<256x256xf32>
    %sub3A_325 = arith.subf %select_n3A_320, %sub3A_324 : vector<256x256xf32>
    %exp3A_326 = math.exp %sub3A_325 : vector<256x256xf32>
    %reduce_sum3A_327 = arith.constant dense<0.000000e+00> : vector<256xf32>
    %reduce_sum3A_328 = vector.multi_reduction <add>, %exp3A_326, %reduce_sum3A_327 [1] : vector<256x256xf32> to vector<256xf32>
    %broadcast_in_dim3A_329 = vector.shape_cast %reduce_sum3A_328 : vector<256xf32> to vector<256x1xf32>
    %div3A_330 = vector.broadcast %broadcast_in_dim3A_329 : vector<256x1xf32> to vector<256x256xf32>
    %div3A_331 = arith.divf %exp3A_326, %div3A_330 : vector<256x256xf32>
    %dot_general3A_332 = arith.constant dense<0.000000e+00> : vector<256x64xf32>
    %dot_general3A_333 = tpu.matmul %div3A_331, %slice3A_102, %dot_general3A_332 {dimension_numbers = #tpu.dot_dimension_numbers<[1], [0], [0], [1], [0, 0, 1, 1], [], []>, transpose_lhs_hint = false} : vector<256x256xf32>, vector<256x64xf32>, vector<256x64xf32> -> vector<256x64xf32>
    %slice3A_334 = vector.extract_strided_slice %mul3A_61 {offsets = [0, 384], sizes = [256, 64], strides = [1, 1]} : vector<256x1280xf32> to vector<256x64xf32>
    %slice3A_335 = vector.extract_strided_slice %rsqrt3A_53 {offsets = [0, 6], sizes = [256, 1], strides = [1, 1]} : vector<256x20xf32> to vector<256x1xf32>
    %mul3A_336 = vector.broadcast %slice3A_335 : vector<256x1xf32> to vector<256x64xf32>
    %mul3A_337 = arith.mulf %slice3A_334, %mul3A_336 : vector<256x64xf32>
    %slice3A_338 = vector.extract_strided_slice %mul3A_337 {offsets = [0, 0], sizes = [256, 32], strides = [1, 1]} : vector<256x64xf32> to vector<256x32xf32>
    %slice3A_339 = vector.extract_strided_slice %mul3A_337 {offsets = [0, 32], sizes = [256, 32], strides = [1, 1]} : vector<256x64xf32> to vector<256x32xf32>
    %mul3A_340 = arith.mulf %slice3A_338, %cos3A : vector<256x32xf32>
    %mul3A_341 = arith.mulf %slice3A_339, %sin3A : vector<256x32xf32>
    %sub3A_342 = arith.subf %mul3A_340, %mul3A_341 : vector<256x32xf32>
    %mul3A_343 = arith.mulf %slice3A_339, %cos3A : vector<256x32xf32>
    %mul3A_344 = arith.mulf %slice3A_338, %sin3A : vector<256x32xf32>
    %add3A_345 = arith.addf %mul3A_343, %mul3A_344 : vector<256x32xf32>
    %concatenate3A_346 = tpu.concatenate %sub3A_342, %add3A_345 in 1 : vector<256x32xf32>, vector<256x32xf32> -> vector<256x64xf32>
    %dot_general3A_347 = arith.constant dense<0.000000e+00> : vector<256x256xf32>
    %dot_general3A_348 = tpu.matmul %concatenate3A_346, %concatenate3A_101, %dot_general3A_347 {dimension_numbers = #tpu.dot_dimension_numbers<[1], [1], [0], [0], [0, 0, 1, 0], [], []>, transpose_lhs_hint = false} : vector<256x64xf32>, vector<256x64xf32>, vector<256x256xf32> -> vector<256x256xf32>
    %mul3A_349 = arith.constant 1.250000e-01 : f32
    %mul3A_350 = vector.broadcast %mul3A_349 : f32 to vector<256x256xf32>
    %mul3A_351 = arith.mulf %dot_general3A_348, %mul3A_350 : vector<256x256xf32>
    %jit3A_352 = arith.constant -1.000000e+30 : f32
    %broadcast_in_dim3A_353 = vector.broadcast %jit3A_352 : f32 to vector<256x256xf32>
    %select_n3A_354 = arith.select %le3A, %mul3A_351, %broadcast_in_dim3A_353 : vector<256x256xi1>, vector<256x256xf32>
    %reduce_max3A_355 = arith.constant dense<0xFF800000> : vector<256xf32>
    %reduce_max3A_356 = vector.multi_reduction <maximumf>, %select_n3A_354, %reduce_max3A_355 [1] : vector<256x256xf32> to vector<256xf32>
    %broadcast_in_dim3A_357 = vector.shape_cast %reduce_max3A_356 : vector<256xf32> to vector<256x1xf32>
    %sub3A_358 = vector.broadcast %broadcast_in_dim3A_357 : vector<256x1xf32> to vector<256x256xf32>
    %sub3A_359 = arith.subf %select_n3A_354, %sub3A_358 : vector<256x256xf32>
    %exp3A_360 = math.exp %sub3A_359 : vector<256x256xf32>
    %reduce_sum3A_361 = arith.constant dense<0.000000e+00> : vector<256xf32>
    %reduce_sum3A_362 = vector.multi_reduction <add>, %exp3A_360, %reduce_sum3A_361 [1] : vector<256x256xf32> to vector<256xf32>
    %broadcast_in_dim3A_363 = vector.shape_cast %reduce_sum3A_362 : vector<256xf32> to vector<256x1xf32>
    %div3A_364 = vector.broadcast %broadcast_in_dim3A_363 : vector<256x1xf32> to vector<256x256xf32>
    %div3A_365 = arith.divf %exp3A_360, %div3A_364 : vector<256x256xf32>
    %dot_general3A_366 = arith.constant dense<0.000000e+00> : vector<256x64xf32>
    %dot_general3A_367 = tpu.matmul %div3A_365, %slice3A_102, %dot_general3A_366 {dimension_numbers = #tpu.dot_dimension_numbers<[1], [0], [0], [1], [0, 0, 1, 1], [], []>, transpose_lhs_hint = false} : vector<256x256xf32>, vector<256x64xf32>, vector<256x64xf32> -> vector<256x64xf32>
    %slice3A_368 = vector.extract_strided_slice %mul3A_61 {offsets = [0, 448], sizes = [256, 64], strides = [1, 1]} : vector<256x1280xf32> to vector<256x64xf32>
    %slice3A_369 = vector.extract_strided_slice %rsqrt3A_53 {offsets = [0, 7], sizes = [256, 1], strides = [1, 1]} : vector<256x20xf32> to vector<256x1xf32>
    %mul3A_370 = vector.broadcast %slice3A_369 : vector<256x1xf32> to vector<256x64xf32>
    %mul3A_371 = arith.mulf %slice3A_368, %mul3A_370 : vector<256x64xf32>
    %slice3A_372 = vector.extract_strided_slice %mul3A_371 {offsets = [0, 0], sizes = [256, 32], strides = [1, 1]} : vector<256x64xf32> to vector<256x32xf32>
    %slice3A_373 = vector.extract_strided_slice %mul3A_371 {offsets = [0, 32], sizes = [256, 32], strides = [1, 1]} : vector<256x64xf32> to vector<256x32xf32>
    %mul3A_374 = arith.mulf %slice3A_372, %cos3A : vector<256x32xf32>
    %mul3A_375 = arith.mulf %slice3A_373, %sin3A : vector<256x32xf32>
    %sub3A_376 = arith.subf %mul3A_374, %mul3A_375 : vector<256x32xf32>
    %mul3A_377 = arith.mulf %slice3A_373, %cos3A : vector<256x32xf32>
    %mul3A_378 = arith.mulf %slice3A_372, %sin3A : vector<256x32xf32>
    %add3A_379 = arith.addf %mul3A_377, %mul3A_378 : vector<256x32xf32>
    %concatenate3A_380 = tpu.concatenate %sub3A_376, %add3A_379 in 1 : vector<256x32xf32>, vector<256x32xf32> -> vector<256x64xf32>
    %dot_general3A_381 = arith.constant dense<0.000000e+00> : vector<256x256xf32>
    %dot_general3A_382 = tpu.matmul %concatenate3A_380, %concatenate3A_101, %dot_general3A_381 {dimension_numbers = #tpu.dot_dimension_numbers<[1], [1], [0], [0], [0, 0, 1, 0], [], []>, transpose_lhs_hint = false} : vector<256x64xf32>, vector<256x64xf32>, vector<256x256xf32> -> vector<256x256xf32>
    %mul3A_383 = arith.constant 1.250000e-01 : f32
    %mul3A_384 = vector.broadcast %mul3A_383 : f32 to vector<256x256xf32>
    %mul3A_385 = arith.mulf %dot_general3A_382, %mul3A_384 : vector<256x256xf32>
    %jit3A_386 = arith.constant -1.000000e+30 : f32
    %broadcast_in_dim3A_387 = vector.broadcast %jit3A_386 : f32 to vector<256x256xf32>
    %select_n3A_388 = arith.select %le3A, %mul3A_385, %broadcast_in_dim3A_387 : vector<256x256xi1>, vector<256x256xf32>
    %reduce_max3A_389 = arith.constant dense<0xFF800000> : vector<256xf32>
    %reduce_max3A_390 = vector.multi_reduction <maximumf>, %select_n3A_388, %reduce_max3A_389 [1] : vector<256x256xf32> to vector<256xf32>
    %broadcast_in_dim3A_391 = vector.shape_cast %reduce_max3A_390 : vector<256xf32> to vector<256x1xf32>
    %sub3A_392 = vector.broadcast %broadcast_in_dim3A_391 : vector<256x1xf32> to vector<256x256xf32>
    %sub3A_393 = arith.subf %select_n3A_388, %sub3A_392 : vector<256x256xf32>
    %exp3A_394 = math.exp %sub3A_393 : vector<256x256xf32>
    %reduce_sum3A_395 = arith.constant dense<0.000000e+00> : vector<256xf32>
    %reduce_sum3A_396 = vector.multi_reduction <add>, %exp3A_394, %reduce_sum3A_395 [1] : vector<256x256xf32> to vector<256xf32>
    %broadcast_in_dim3A_397 = vector.shape_cast %reduce_sum3A_396 : vector<256xf32> to vector<256x1xf32>
    %div3A_398 = vector.broadcast %broadcast_in_dim3A_397 : vector<256x1xf32> to vector<256x256xf32>
    %div3A_399 = arith.divf %exp3A_394, %div3A_398 : vector<256x256xf32>
    %dot_general3A_400 = arith.constant dense<0.000000e+00> : vector<256x64xf32>
    %dot_general3A_401 = tpu.matmul %div3A_399, %slice3A_102, %dot_general3A_400 {dimension_numbers = #tpu.dot_dimension_numbers<[1], [0], [0], [1], [0, 0, 1, 1], [], []>, transpose_lhs_hint = false} : vector<256x256xf32>, vector<256x64xf32>, vector<256x64xf32> -> vector<256x64xf32>
    %slice3A_402 = vector.extract_strided_slice %mul3A_61 {offsets = [0, 512], sizes = [256, 64], strides = [1, 1]} : vector<256x1280xf32> to vector<256x64xf32>
    %slice3A_403 = vector.extract_strided_slice %rsqrt3A_53 {offsets = [0, 8], sizes = [256, 1], strides = [1, 1]} : vector<256x20xf32> to vector<256x1xf32>
    %mul3A_404 = vector.broadcast %slice3A_403 : vector<256x1xf32> to vector<256x64xf32>
    %mul3A_405 = arith.mulf %slice3A_402, %mul3A_404 : vector<256x64xf32>
    %slice3A_406 = vector.extract_strided_slice %mul3A_405 {offsets = [0, 0], sizes = [256, 32], strides = [1, 1]} : vector<256x64xf32> to vector<256x32xf32>
    %slice3A_407 = vector.extract_strided_slice %mul3A_405 {offsets = [0, 32], sizes = [256, 32], strides = [1, 1]} : vector<256x64xf32> to vector<256x32xf32>
    %mul3A_408 = arith.mulf %slice3A_406, %cos3A : vector<256x32xf32>
    %mul3A_409 = arith.mulf %slice3A_407, %sin3A : vector<256x32xf32>
    %sub3A_410 = arith.subf %mul3A_408, %mul3A_409 : vector<256x32xf32>
    %mul3A_411 = arith.mulf %slice3A_407, %cos3A : vector<256x32xf32>
    %mul3A_412 = arith.mulf %slice3A_406, %sin3A : vector<256x32xf32>
    %add3A_413 = arith.addf %mul3A_411, %mul3A_412 : vector<256x32xf32>
    %concatenate3A_414 = tpu.concatenate %sub3A_410, %add3A_413 in 1 : vector<256x32xf32>, vector<256x32xf32> -> vector<256x64xf32>
    %dot_general3A_415 = arith.constant dense<0.000000e+00> : vector<256x256xf32>
    %dot_general3A_416 = tpu.matmul %concatenate3A_414, %concatenate3A_115, %dot_general3A_415 {dimension_numbers = #tpu.dot_dimension_numbers<[1], [1], [0], [0], [0, 0, 1, 0], [], []>, transpose_lhs_hint = false} : vector<256x64xf32>, vector<256x64xf32>, vector<256x256xf32> -> vector<256x256xf32>
    %mul3A_417 = arith.constant 1.250000e-01 : f32
    %mul3A_418 = vector.broadcast %mul3A_417 : f32 to vector<256x256xf32>
    %mul3A_419 = arith.mulf %dot_general3A_416, %mul3A_418 : vector<256x256xf32>
    %jit3A_420 = arith.constant -1.000000e+30 : f32
    %broadcast_in_dim3A_421 = vector.broadcast %jit3A_420 : f32 to vector<256x256xf32>
    %select_n3A_422 = arith.select %le3A, %mul3A_419, %broadcast_in_dim3A_421 : vector<256x256xi1>, vector<256x256xf32>
    %reduce_max3A_423 = arith.constant dense<0xFF800000> : vector<256xf32>
    %reduce_max3A_424 = vector.multi_reduction <maximumf>, %select_n3A_422, %reduce_max3A_423 [1] : vector<256x256xf32> to vector<256xf32>
    %broadcast_in_dim3A_425 = vector.shape_cast %reduce_max3A_424 : vector<256xf32> to vector<256x1xf32>
    %sub3A_426 = vector.broadcast %broadcast_in_dim3A_425 : vector<256x1xf32> to vector<256x256xf32>
    %sub3A_427 = arith.subf %select_n3A_422, %sub3A_426 : vector<256x256xf32>
    %exp3A_428 = math.exp %sub3A_427 : vector<256x256xf32>
    %reduce_sum3A_429 = arith.constant dense<0.000000e+00> : vector<256xf32>
    %reduce_sum3A_430 = vector.multi_reduction <add>, %exp3A_428, %reduce_sum3A_429 [1] : vector<256x256xf32> to vector<256xf32>
    %broadcast_in_dim3A_431 = vector.shape_cast %reduce_sum3A_430 : vector<256xf32> to vector<256x1xf32>
    %div3A_432 = vector.broadcast %broadcast_in_dim3A_431 : vector<256x1xf32> to vector<256x256xf32>
    %div3A_433 = arith.divf %exp3A_428, %div3A_432 : vector<256x256xf32>
    %dot_general3A_434 = arith.constant dense<0.000000e+00> : vector<256x64xf32>
    %dot_general3A_435 = tpu.matmul %div3A_433, %slice3A_116, %dot_general3A_434 {dimension_numbers = #tpu.dot_dimension_numbers<[1], [0], [0], [1], [0, 0, 1, 1], [], []>, transpose_lhs_hint = false} : vector<256x256xf32>, vector<256x64xf32>, vector<256x64xf32> -> vector<256x64xf32>
    %slice3A_436 = vector.extract_strided_slice %mul3A_61 {offsets = [0, 576], sizes = [256, 64], strides = [1, 1]} : vector<256x1280xf32> to vector<256x64xf32>
    %slice3A_437 = vector.extract_strided_slice %rsqrt3A_53 {offsets = [0, 9], sizes = [256, 1], strides = [1, 1]} : vector<256x20xf32> to vector<256x1xf32>
    %mul3A_438 = vector.broadcast %slice3A_437 : vector<256x1xf32> to vector<256x64xf32>
    %mul3A_439 = arith.mulf %slice3A_436, %mul3A_438 : vector<256x64xf32>
    %slice3A_440 = vector.extract_strided_slice %mul3A_439 {offsets = [0, 0], sizes = [256, 32], strides = [1, 1]} : vector<256x64xf32> to vector<256x32xf32>
    %slice3A_441 = vector.extract_strided_slice %mul3A_439 {offsets = [0, 32], sizes = [256, 32], strides = [1, 1]} : vector<256x64xf32> to vector<256x32xf32>
    %mul3A_442 = arith.mulf %slice3A_440, %cos3A : vector<256x32xf32>
    %mul3A_443 = arith.mulf %slice3A_441, %sin3A : vector<256x32xf32>
    %sub3A_444 = arith.subf %mul3A_442, %mul3A_443 : vector<256x32xf32>
    %mul3A_445 = arith.mulf %slice3A_441, %cos3A : vector<256x32xf32>
    %mul3A_446 = arith.mulf %slice3A_440, %sin3A : vector<256x32xf32>
    %add3A_447 = arith.addf %mul3A_445, %mul3A_446 : vector<256x32xf32>
    %concatenate3A_448 = tpu.concatenate %sub3A_444, %add3A_447 in 1 : vector<256x32xf32>, vector<256x32xf32> -> vector<256x64xf32>
    %dot_general3A_449 = arith.constant dense<0.000000e+00> : vector<256x256xf32>
    %dot_general3A_450 = tpu.matmul %concatenate3A_448, %concatenate3A_115, %dot_general3A_449 {dimension_numbers = #tpu.dot_dimension_numbers<[1], [1], [0], [0], [0, 0, 1, 0], [], []>, transpose_lhs_hint = false} : vector<256x64xf32>, vector<256x64xf32>, vector<256x256xf32> -> vector<256x256xf32>
    %mul3A_451 = arith.constant 1.250000e-01 : f32
    %mul3A_452 = vector.broadcast %mul3A_451 : f32 to vector<256x256xf32>
    %mul3A_453 = arith.mulf %dot_general3A_450, %mul3A_452 : vector<256x256xf32>
    %jit3A_454 = arith.constant -1.000000e+30 : f32
    %broadcast_in_dim3A_455 = vector.broadcast %jit3A_454 : f32 to vector<256x256xf32>
    %select_n3A_456 = arith.select %le3A, %mul3A_453, %broadcast_in_dim3A_455 : vector<256x256xi1>, vector<256x256xf32>
    %reduce_max3A_457 = arith.constant dense<0xFF800000> : vector<256xf32>
    %reduce_max3A_458 = vector.multi_reduction <maximumf>, %select_n3A_456, %reduce_max3A_457 [1] : vector<256x256xf32> to vector<256xf32>
    %broadcast_in_dim3A_459 = vector.shape_cast %reduce_max3A_458 : vector<256xf32> to vector<256x1xf32>
    %sub3A_460 = vector.broadcast %broadcast_in_dim3A_459 : vector<256x1xf32> to vector<256x256xf32>
    %sub3A_461 = arith.subf %select_n3A_456, %sub3A_460 : vector<256x256xf32>
    %exp3A_462 = math.exp %sub3A_461 : vector<256x256xf32>
    %reduce_sum3A_463 = arith.constant dense<0.000000e+00> : vector<256xf32>
    %reduce_sum3A_464 = vector.multi_reduction <add>, %exp3A_462, %reduce_sum3A_463 [1] : vector<256x256xf32> to vector<256xf32>
    %broadcast_in_dim3A_465 = vector.shape_cast %reduce_sum3A_464 : vector<256xf32> to vector<256x1xf32>
    %div3A_466 = vector.broadcast %broadcast_in_dim3A_465 : vector<256x1xf32> to vector<256x256xf32>
    %div3A_467 = arith.divf %exp3A_462, %div3A_466 : vector<256x256xf32>
    %dot_general3A_468 = arith.constant dense<0.000000e+00> : vector<256x64xf32>
    %dot_general3A_469 = tpu.matmul %div3A_467, %slice3A_116, %dot_general3A_468 {dimension_numbers = #tpu.dot_dimension_numbers<[1], [0], [0], [1], [0, 0, 1, 1], [], []>, transpose_lhs_hint = false} : vector<256x256xf32>, vector<256x64xf32>, vector<256x64xf32> -> vector<256x64xf32>
    %slice3A_470 = vector.extract_strided_slice %mul3A_61 {offsets = [0, 640], sizes = [256, 64], strides = [1, 1]} : vector<256x1280xf32> to vector<256x64xf32>
    %slice3A_471 = vector.extract_strided_slice %rsqrt3A_53 {offsets = [0, 10], sizes = [256, 1], strides = [1, 1]} : vector<256x20xf32> to vector<256x1xf32>
    %mul3A_472 = vector.broadcast %slice3A_471 : vector<256x1xf32> to vector<256x64xf32>
    %mul3A_473 = arith.mulf %slice3A_470, %mul3A_472 : vector<256x64xf32>
    %slice3A_474 = vector.extract_strided_slice %mul3A_473 {offsets = [0, 0], sizes = [256, 32], strides = [1, 1]} : vector<256x64xf32> to vector<256x32xf32>
    %slice3A_475 = vector.extract_strided_slice %mul3A_473 {offsets = [0, 32], sizes = [256, 32], strides = [1, 1]} : vector<256x64xf32> to vector<256x32xf32>
    %mul3A_476 = arith.mulf %slice3A_474, %cos3A : vector<256x32xf32>
    %mul3A_477 = arith.mulf %slice3A_475, %sin3A : vector<256x32xf32>
    %sub3A_478 = arith.subf %mul3A_476, %mul3A_477 : vector<256x32xf32>
    %mul3A_479 = arith.mulf %slice3A_475, %cos3A : vector<256x32xf32>
    %mul3A_480 = arith.mulf %slice3A_474, %sin3A : vector<256x32xf32>
    %add3A_481 = arith.addf %mul3A_479, %mul3A_480 : vector<256x32xf32>
    %concatenate3A_482 = tpu.concatenate %sub3A_478, %add3A_481 in 1 : vector<256x32xf32>, vector<256x32xf32> -> vector<256x64xf32>
    %dot_general3A_483 = arith.constant dense<0.000000e+00> : vector<256x256xf32>
    %dot_general3A_484 = tpu.matmul %concatenate3A_482, %concatenate3A_115, %dot_general3A_483 {dimension_numbers = #tpu.dot_dimension_numbers<[1], [1], [0], [0], [0, 0, 1, 0], [], []>, transpose_lhs_hint = false} : vector<256x64xf32>, vector<256x64xf32>, vector<256x256xf32> -> vector<256x256xf32>
    %mul3A_485 = arith.constant 1.250000e-01 : f32
    %mul3A_486 = vector.broadcast %mul3A_485 : f32 to vector<256x256xf32>
    %mul3A_487 = arith.mulf %dot_general3A_484, %mul3A_486 : vector<256x256xf32>
    %jit3A_488 = arith.constant -1.000000e+30 : f32
    %broadcast_in_dim3A_489 = vector.broadcast %jit3A_488 : f32 to vector<256x256xf32>
    %select_n3A_490 = arith.select %le3A, %mul3A_487, %broadcast_in_dim3A_489 : vector<256x256xi1>, vector<256x256xf32>
    %reduce_max3A_491 = arith.constant dense<0xFF800000> : vector<256xf32>
    %reduce_max3A_492 = vector.multi_reduction <maximumf>, %select_n3A_490, %reduce_max3A_491 [1] : vector<256x256xf32> to vector<256xf32>
    %broadcast_in_dim3A_493 = vector.shape_cast %reduce_max3A_492 : vector<256xf32> to vector<256x1xf32>
    %sub3A_494 = vector.broadcast %broadcast_in_dim3A_493 : vector<256x1xf32> to vector<256x256xf32>
    %sub3A_495 = arith.subf %select_n3A_490, %sub3A_494 : vector<256x256xf32>
    %exp3A_496 = math.exp %sub3A_495 : vector<256x256xf32>
    %reduce_sum3A_497 = arith.constant dense<0.000000e+00> : vector<256xf32>
    %reduce_sum3A_498 = vector.multi_reduction <add>, %exp3A_496, %reduce_sum3A_497 [1] : vector<256x256xf32> to vector<256xf32>
    %broadcast_in_dim3A_499 = vector.shape_cast %reduce_sum3A_498 : vector<256xf32> to vector<256x1xf32>
    %div3A_500 = vector.broadcast %broadcast_in_dim3A_499 : vector<256x1xf32> to vector<256x256xf32>
    %div3A_501 = arith.divf %exp3A_496, %div3A_500 : vector<256x256xf32>
    %dot_general3A_502 = arith.constant dense<0.000000e+00> : vector<256x64xf32>
    %dot_general3A_503 = tpu.matmul %div3A_501, %slice3A_116, %dot_general3A_502 {dimension_numbers = #tpu.dot_dimension_numbers<[1], [0], [0], [1], [0, 0, 1, 1], [], []>, transpose_lhs_hint = false} : vector<256x256xf32>, vector<256x64xf32>, vector<256x64xf32> -> vector<256x64xf32>
    %slice3A_504 = vector.extract_strided_slice %mul3A_61 {offsets = [0, 704], sizes = [256, 64], strides = [1, 1]} : vector<256x1280xf32> to vector<256x64xf32>
    %slice3A_505 = vector.extract_strided_slice %rsqrt3A_53 {offsets = [0, 11], sizes = [256, 1], strides = [1, 1]} : vector<256x20xf32> to vector<256x1xf32>
    %mul3A_506 = vector.broadcast %slice3A_505 : vector<256x1xf32> to vector<256x64xf32>
    %mul3A_507 = arith.mulf %slice3A_504, %mul3A_506 : vector<256x64xf32>
    %slice3A_508 = vector.extract_strided_slice %mul3A_507 {offsets = [0, 0], sizes = [256, 32], strides = [1, 1]} : vector<256x64xf32> to vector<256x32xf32>
    %slice3A_509 = vector.extract_strided_slice %mul3A_507 {offsets = [0, 32], sizes = [256, 32], strides = [1, 1]} : vector<256x64xf32> to vector<256x32xf32>
    %mul3A_510 = arith.mulf %slice3A_508, %cos3A : vector<256x32xf32>
    %mul3A_511 = arith.mulf %slice3A_509, %sin3A : vector<256x32xf32>
    %sub3A_512 = arith.subf %mul3A_510, %mul3A_511 : vector<256x32xf32>
    %mul3A_513 = arith.mulf %slice3A_509, %cos3A : vector<256x32xf32>
    %mul3A_514 = arith.mulf %slice3A_508, %sin3A : vector<256x32xf32>
    %add3A_515 = arith.addf %mul3A_513, %mul3A_514 : vector<256x32xf32>
    %concatenate3A_516 = tpu.concatenate %sub3A_512, %add3A_515 in 1 : vector<256x32xf32>, vector<256x32xf32> -> vector<256x64xf32>
    %dot_general3A_517 = arith.constant dense<0.000000e+00> : vector<256x256xf32>
    %dot_general3A_518 = tpu.matmul %concatenate3A_516, %concatenate3A_115, %dot_general3A_517 {dimension_numbers = #tpu.dot_dimension_numbers<[1], [1], [0], [0], [0, 0, 1, 0], [], []>, transpose_lhs_hint = false} : vector<256x64xf32>, vector<256x64xf32>, vector<256x256xf32> -> vector<256x256xf32>
    %mul3A_519 = arith.constant 1.250000e-01 : f32
    %mul3A_520 = vector.broadcast %mul3A_519 : f32 to vector<256x256xf32>
    %mul3A_521 = arith.mulf %dot_general3A_518, %mul3A_520 : vector<256x256xf32>
    %jit3A_522 = arith.constant -1.000000e+30 : f32
    %broadcast_in_dim3A_523 = vector.broadcast %jit3A_522 : f32 to vector<256x256xf32>
    %select_n3A_524 = arith.select %le3A, %mul3A_521, %broadcast_in_dim3A_523 : vector<256x256xi1>, vector<256x256xf32>
    %reduce_max3A_525 = arith.constant dense<0xFF800000> : vector<256xf32>
    %reduce_max3A_526 = vector.multi_reduction <maximumf>, %select_n3A_524, %reduce_max3A_525 [1] : vector<256x256xf32> to vector<256xf32>
    %broadcast_in_dim3A_527 = vector.shape_cast %reduce_max3A_526 : vector<256xf32> to vector<256x1xf32>
    %sub3A_528 = vector.broadcast %broadcast_in_dim3A_527 : vector<256x1xf32> to vector<256x256xf32>
    %sub3A_529 = arith.subf %select_n3A_524, %sub3A_528 : vector<256x256xf32>
    %exp3A_530 = math.exp %sub3A_529 : vector<256x256xf32>
    %reduce_sum3A_531 = arith.constant dense<0.000000e+00> : vector<256xf32>
    %reduce_sum3A_532 = vector.multi_reduction <add>, %exp3A_530, %reduce_sum3A_531 [1] : vector<256x256xf32> to vector<256xf32>
    %broadcast_in_dim3A_533 = vector.shape_cast %reduce_sum3A_532 : vector<256xf32> to vector<256x1xf32>
    %div3A_534 = vector.broadcast %broadcast_in_dim3A_533 : vector<256x1xf32> to vector<256x256xf32>
    %div3A_535 = arith.divf %exp3A_530, %div3A_534 : vector<256x256xf32>
    %dot_general3A_536 = arith.constant dense<0.000000e+00> : vector<256x64xf32>
    %dot_general3A_537 = tpu.matmul %div3A_535, %slice3A_116, %dot_general3A_536 {dimension_numbers = #tpu.dot_dimension_numbers<[1], [0], [0], [1], [0, 0, 1, 1], [], []>, transpose_lhs_hint = false} : vector<256x256xf32>, vector<256x64xf32>, vector<256x64xf32> -> vector<256x64xf32>
    %slice3A_538 = vector.extract_strided_slice %mul3A_61 {offsets = [0, 768], sizes = [256, 64], strides = [1, 1]} : vector<256x1280xf32> to vector<256x64xf32>
    %slice3A_539 = vector.extract_strided_slice %rsqrt3A_53 {offsets = [0, 12], sizes = [256, 1], strides = [1, 1]} : vector<256x20xf32> to vector<256x1xf32>
    %mul3A_540 = vector.broadcast %slice3A_539 : vector<256x1xf32> to vector<256x64xf32>
    %mul3A_541 = arith.mulf %slice3A_538, %mul3A_540 : vector<256x64xf32>
    %slice3A_542 = vector.extract_strided_slice %mul3A_541 {offsets = [0, 0], sizes = [256, 32], strides = [1, 1]} : vector<256x64xf32> to vector<256x32xf32>
    %slice3A_543 = vector.extract_strided_slice %mul3A_541 {offsets = [0, 32], sizes = [256, 32], strides = [1, 1]} : vector<256x64xf32> to vector<256x32xf32>
    %mul3A_544 = arith.mulf %slice3A_542, %cos3A : vector<256x32xf32>
    %mul3A_545 = arith.mulf %slice3A_543, %sin3A : vector<256x32xf32>
    %sub3A_546 = arith.subf %mul3A_544, %mul3A_545 : vector<256x32xf32>
    %mul3A_547 = arith.mulf %slice3A_543, %cos3A : vector<256x32xf32>
    %mul3A_548 = arith.mulf %slice3A_542, %sin3A : vector<256x32xf32>
    %add3A_549 = arith.addf %mul3A_547, %mul3A_548 : vector<256x32xf32>
    %concatenate3A_550 = tpu.concatenate %sub3A_546, %add3A_549 in 1 : vector<256x32xf32>, vector<256x32xf32> -> vector<256x64xf32>
    %dot_general3A_551 = arith.constant dense<0.000000e+00> : vector<256x256xf32>
    %dot_general3A_552 = tpu.matmul %concatenate3A_550, %concatenate3A_129, %dot_general3A_551 {dimension_numbers = #tpu.dot_dimension_numbers<[1], [1], [0], [0], [0, 0, 1, 0], [], []>, transpose_lhs_hint = false} : vector<256x64xf32>, vector<256x64xf32>, vector<256x256xf32> -> vector<256x256xf32>
    %mul3A_553 = arith.constant 1.250000e-01 : f32
    %mul3A_554 = vector.broadcast %mul3A_553 : f32 to vector<256x256xf32>
    %mul3A_555 = arith.mulf %dot_general3A_552, %mul3A_554 : vector<256x256xf32>
    %jit3A_556 = arith.constant -1.000000e+30 : f32
    %broadcast_in_dim3A_557 = vector.broadcast %jit3A_556 : f32 to vector<256x256xf32>
    %select_n3A_558 = arith.select %le3A, %mul3A_555, %broadcast_in_dim3A_557 : vector<256x256xi1>, vector<256x256xf32>
    %reduce_max3A_559 = arith.constant dense<0xFF800000> : vector<256xf32>
    %reduce_max3A_560 = vector.multi_reduction <maximumf>, %select_n3A_558, %reduce_max3A_559 [1] : vector<256x256xf32> to vector<256xf32>
    %broadcast_in_dim3A_561 = vector.shape_cast %reduce_max3A_560 : vector<256xf32> to vector<256x1xf32>
    %sub3A_562 = vector.broadcast %broadcast_in_dim3A_561 : vector<256x1xf32> to vector<256x256xf32>
    %sub3A_563 = arith.subf %select_n3A_558, %sub3A_562 : vector<256x256xf32>
    %exp3A_564 = math.exp %sub3A_563 : vector<256x256xf32>
    %reduce_sum3A_565 = arith.constant dense<0.000000e+00> : vector<256xf32>
    %reduce_sum3A_566 = vector.multi_reduction <add>, %exp3A_564, %reduce_sum3A_565 [1] : vector<256x256xf32> to vector<256xf32>
    %broadcast_in_dim3A_567 = vector.shape_cast %reduce_sum3A_566 : vector<256xf32> to vector<256x1xf32>
    %div3A_568 = vector.broadcast %broadcast_in_dim3A_567 : vector<256x1xf32> to vector<256x256xf32>
    %div3A_569 = arith.divf %exp3A_564, %div3A_568 : vector<256x256xf32>
    %dot_general3A_570 = arith.constant dense<0.000000e+00> : vector<256x64xf32>
    %dot_general3A_571 = tpu.matmul %div3A_569, %slice3A_130, %dot_general3A_570 {dimension_numbers = #tpu.dot_dimension_numbers<[1], [0], [0], [1], [0, 0, 1, 1], [], []>, transpose_lhs_hint = false} : vector<256x256xf32>, vector<256x64xf32>, vector<256x64xf32> -> vector<256x64xf32>
    %slice3A_572 = vector.extract_strided_slice %mul3A_61 {offsets = [0, 832], sizes = [256, 64], strides = [1, 1]} : vector<256x1280xf32> to vector<256x64xf32>
    %slice3A_573 = vector.extract_strided_slice %rsqrt3A_53 {offsets = [0, 13], sizes = [256, 1], strides = [1, 1]} : vector<256x20xf32> to vector<256x1xf32>
    %mul3A_574 = vector.broadcast %slice3A_573 : vector<256x1xf32> to vector<256x64xf32>
    %mul3A_575 = arith.mulf %slice3A_572, %mul3A_574 : vector<256x64xf32>
    %slice3A_576 = vector.extract_strided_slice %mul3A_575 {offsets = [0, 0], sizes = [256, 32], strides = [1, 1]} : vector<256x64xf32> to vector<256x32xf32>
    %slice3A_577 = vector.extract_strided_slice %mul3A_575 {offsets = [0, 32], sizes = [256, 32], strides = [1, 1]} : vector<256x64xf32> to vector<256x32xf32>
    %mul3A_578 = arith.mulf %slice3A_576, %cos3A : vector<256x32xf32>
    %mul3A_579 = arith.mulf %slice3A_577, %sin3A : vector<256x32xf32>
    %sub3A_580 = arith.subf %mul3A_578, %mul3A_579 : vector<256x32xf32>
    %mul3A_581 = arith.mulf %slice3A_577, %cos3A : vector<256x32xf32>
    %mul3A_582 = arith.mulf %slice3A_576, %sin3A : vector<256x32xf32>
    %add3A_583 = arith.addf %mul3A_581, %mul3A_582 : vector<256x32xf32>
    %concatenate3A_584 = tpu.concatenate %sub3A_580, %add3A_583 in 1 : vector<256x32xf32>, vector<256x32xf32> -> vector<256x64xf32>
    %dot_general3A_585 = arith.constant dense<0.000000e+00> : vector<256x256xf32>
    %dot_general3A_586 = tpu.matmul %concatenate3A_584, %concatenate3A_129, %dot_general3A_585 {dimension_numbers = #tpu.dot_dimension_numbers<[1], [1], [0], [0], [0, 0, 1, 0], [], []>, transpose_lhs_hint = false} : vector<256x64xf32>, vector<256x64xf32>, vector<256x256xf32> -> vector<256x256xf32>
    %mul3A_587 = arith.constant 1.250000e-01 : f32
    %mul3A_588 = vector.broadcast %mul3A_587 : f32 to vector<256x256xf32>
    %mul3A_589 = arith.mulf %dot_general3A_586, %mul3A_588 : vector<256x256xf32>
    %jit3A_590 = arith.constant -1.000000e+30 : f32
    %broadcast_in_dim3A_591 = vector.broadcast %jit3A_590 : f32 to vector<256x256xf32>
    %select_n3A_592 = arith.select %le3A, %mul3A_589, %broadcast_in_dim3A_591 : vector<256x256xi1>, vector<256x256xf32>
    %reduce_max3A_593 = arith.constant dense<0xFF800000> : vector<256xf32>
    %reduce_max3A_594 = vector.multi_reduction <maximumf>, %select_n3A_592, %reduce_max3A_593 [1] : vector<256x256xf32> to vector<256xf32>
    %broadcast_in_dim3A_595 = vector.shape_cast %reduce_max3A_594 : vector<256xf32> to vector<256x1xf32>
    %sub3A_596 = vector.broadcast %broadcast_in_dim3A_595 : vector<256x1xf32> to vector<256x256xf32>
    %sub3A_597 = arith.subf %select_n3A_592, %sub3A_596 : vector<256x256xf32>
    %exp3A_598 = math.exp %sub3A_597 : vector<256x256xf32>
    %reduce_sum3A_599 = arith.constant dense<0.000000e+00> : vector<256xf32>
    %reduce_sum3A_600 = vector.multi_reduction <add>, %exp3A_598, %reduce_sum3A_599 [1] : vector<256x256xf32> to vector<256xf32>
    %broadcast_in_dim3A_601 = vector.shape_cast %reduce_sum3A_600 : vector<256xf32> to vector<256x1xf32>
    %div3A_602 = vector.broadcast %broadcast_in_dim3A_601 : vector<256x1xf32> to vector<256x256xf32>
    %div3A_603 = arith.divf %exp3A_598, %div3A_602 : vector<256x256xf32>
    %dot_general3A_604 = arith.constant dense<0.000000e+00> : vector<256x64xf32>
    %dot_general3A_605 = tpu.matmul %div3A_603, %slice3A_130, %dot_general3A_604 {dimension_numbers = #tpu.dot_dimension_numbers<[1], [0], [0], [1], [0, 0, 1, 1], [], []>, transpose_lhs_hint = false} : vector<256x256xf32>, vector<256x64xf32>, vector<256x64xf32> -> vector<256x64xf32>
    %slice3A_606 = vector.extract_strided_slice %mul3A_61 {offsets = [0, 896], sizes = [256, 64], strides = [1, 1]} : vector<256x1280xf32> to vector<256x64xf32>
    %slice3A_607 = vector.extract_strided_slice %rsqrt3A_53 {offsets = [0, 14], sizes = [256, 1], strides = [1, 1]} : vector<256x20xf32> to vector<256x1xf32>
    %mul3A_608 = vector.broadcast %slice3A_607 : vector<256x1xf32> to vector<256x64xf32>
    %mul3A_609 = arith.mulf %slice3A_606, %mul3A_608 : vector<256x64xf32>
    %slice3A_610 = vector.extract_strided_slice %mul3A_609 {offsets = [0, 0], sizes = [256, 32], strides = [1, 1]} : vector<256x64xf32> to vector<256x32xf32>
    %slice3A_611 = vector.extract_strided_slice %mul3A_609 {offsets = [0, 32], sizes = [256, 32], strides = [1, 1]} : vector<256x64xf32> to vector<256x32xf32>
    %mul3A_612 = arith.mulf %slice3A_610, %cos3A : vector<256x32xf32>
    %mul3A_613 = arith.mulf %slice3A_611, %sin3A : vector<256x32xf32>
    %sub3A_614 = arith.subf %mul3A_612, %mul3A_613 : vector<256x32xf32>
    %mul3A_615 = arith.mulf %slice3A_611, %cos3A : vector<256x32xf32>
    %mul3A_616 = arith.mulf %slice3A_610, %sin3A : vector<256x32xf32>
    %add3A_617 = arith.addf %mul3A_615, %mul3A_616 : vector<256x32xf32>
    %concatenate3A_618 = tpu.concatenate %sub3A_614, %add3A_617 in 1 : vector<256x32xf32>, vector<256x32xf32> -> vector<256x64xf32>
    %dot_general3A_619 = arith.constant dense<0.000000e+00> : vector<256x256xf32>
    %dot_general3A_620 = tpu.matmul %concatenate3A_618, %concatenate3A_129, %dot_general3A_619 {dimension_numbers = #tpu.dot_dimension_numbers<[1], [1], [0], [0], [0, 0, 1, 0], [], []>, transpose_lhs_hint = false} : vector<256x64xf32>, vector<256x64xf32>, vector<256x256xf32> -> vector<256x256xf32>
    %mul3A_621 = arith.constant 1.250000e-01 : f32
    %mul3A_622 = vector.broadcast %mul3A_621 : f32 to vector<256x256xf32>
    %mul3A_623 = arith.mulf %dot_general3A_620, %mul3A_622 : vector<256x256xf32>
    %jit3A_624 = arith.constant -1.000000e+30 : f32
    %broadcast_in_dim3A_625 = vector.broadcast %jit3A_624 : f32 to vector<256x256xf32>
    %select_n3A_626 = arith.select %le3A, %mul3A_623, %broadcast_in_dim3A_625 : vector<256x256xi1>, vector<256x256xf32>
    %reduce_max3A_627 = arith.constant dense<0xFF800000> : vector<256xf32>
    %reduce_max3A_628 = vector.multi_reduction <maximumf>, %select_n3A_626, %reduce_max3A_627 [1] : vector<256x256xf32> to vector<256xf32>
    %broadcast_in_dim3A_629 = vector.shape_cast %reduce_max3A_628 : vector<256xf32> to vector<256x1xf32>
    %sub3A_630 = vector.broadcast %broadcast_in_dim3A_629 : vector<256x1xf32> to vector<256x256xf32>
    %sub3A_631 = arith.subf %select_n3A_626, %sub3A_630 : vector<256x256xf32>
    %exp3A_632 = math.exp %sub3A_631 : vector<256x256xf32>
    %reduce_sum3A_633 = arith.constant dense<0.000000e+00> : vector<256xf32>
    %reduce_sum3A_634 = vector.multi_reduction <add>, %exp3A_632, %reduce_sum3A_633 [1] : vector<256x256xf32> to vector<256xf32>
    %broadcast_in_dim3A_635 = vector.shape_cast %reduce_sum3A_634 : vector<256xf32> to vector<256x1xf32>
    %div3A_636 = vector.broadcast %broadcast_in_dim3A_635 : vector<256x1xf32> to vector<256x256xf32>
    %div3A_637 = arith.divf %exp3A_632, %div3A_636 : vector<256x256xf32>
    %dot_general3A_638 = arith.constant dense<0.000000e+00> : vector<256x64xf32>
    %dot_general3A_639 = tpu.matmul %div3A_637, %slice3A_130, %dot_general3A_638 {dimension_numbers = #tpu.dot_dimension_numbers<[1], [0], [0], [1], [0, 0, 1, 1], [], []>, transpose_lhs_hint = false} : vector<256x256xf32>, vector<256x64xf32>, vector<256x64xf32> -> vector<256x64xf32>
    %slice3A_640 = vector.extract_strided_slice %mul3A_61 {offsets = [0, 960], sizes = [256, 64], strides = [1, 1]} : vector<256x1280xf32> to vector<256x64xf32>
    %slice3A_641 = vector.extract_strided_slice %rsqrt3A_53 {offsets = [0, 15], sizes = [256, 1], strides = [1, 1]} : vector<256x20xf32> to vector<256x1xf32>
    %mul3A_642 = vector.broadcast %slice3A_641 : vector<256x1xf32> to vector<256x64xf32>
    %mul3A_643 = arith.mulf %slice3A_640, %mul3A_642 : vector<256x64xf32>
    %slice3A_644 = vector.extract_strided_slice %mul3A_643 {offsets = [0, 0], sizes = [256, 32], strides = [1, 1]} : vector<256x64xf32> to vector<256x32xf32>
    %slice3A_645 = vector.extract_strided_slice %mul3A_643 {offsets = [0, 32], sizes = [256, 32], strides = [1, 1]} : vector<256x64xf32> to vector<256x32xf32>
    %mul3A_646 = arith.mulf %slice3A_644, %cos3A : vector<256x32xf32>
    %mul3A_647 = arith.mulf %slice3A_645, %sin3A : vector<256x32xf32>
    %sub3A_648 = arith.subf %mul3A_646, %mul3A_647 : vector<256x32xf32>
    %mul3A_649 = arith.mulf %slice3A_645, %cos3A : vector<256x32xf32>
    %mul3A_650 = arith.mulf %slice3A_644, %sin3A : vector<256x32xf32>
    %add3A_651 = arith.addf %mul3A_649, %mul3A_650 : vector<256x32xf32>
    %concatenate3A_652 = tpu.concatenate %sub3A_648, %add3A_651 in 1 : vector<256x32xf32>, vector<256x32xf32> -> vector<256x64xf32>
    %dot_general3A_653 = arith.constant dense<0.000000e+00> : vector<256x256xf32>
    %dot_general3A_654 = tpu.matmul %concatenate3A_652, %concatenate3A_129, %dot_general3A_653 {dimension_numbers = #tpu.dot_dimension_numbers<[1], [1], [0], [0], [0, 0, 1, 0], [], []>, transpose_lhs_hint = false} : vector<256x64xf32>, vector<256x64xf32>, vector<256x256xf32> -> vector<256x256xf32>
    %mul3A_655 = arith.constant 1.250000e-01 : f32
    %mul3A_656 = vector.broadcast %mul3A_655 : f32 to vector<256x256xf32>
    %mul3A_657 = arith.mulf %dot_general3A_654, %mul3A_656 : vector<256x256xf32>
    %jit3A_658 = arith.constant -1.000000e+30 : f32
    %broadcast_in_dim3A_659 = vector.broadcast %jit3A_658 : f32 to vector<256x256xf32>
    %select_n3A_660 = arith.select %le3A, %mul3A_657, %broadcast_in_dim3A_659 : vector<256x256xi1>, vector<256x256xf32>
    %reduce_max3A_661 = arith.constant dense<0xFF800000> : vector<256xf32>
    %reduce_max3A_662 = vector.multi_reduction <maximumf>, %select_n3A_660, %reduce_max3A_661 [1] : vector<256x256xf32> to vector<256xf32>
    %broadcast_in_dim3A_663 = vector.shape_cast %reduce_max3A_662 : vector<256xf32> to vector<256x1xf32>
    %sub3A_664 = vector.broadcast %broadcast_in_dim3A_663 : vector<256x1xf32> to vector<256x256xf32>
    %sub3A_665 = arith.subf %select_n3A_660, %sub3A_664 : vector<256x256xf32>
    %exp3A_666 = math.exp %sub3A_665 : vector<256x256xf32>
    %reduce_sum3A_667 = arith.constant dense<0.000000e+00> : vector<256xf32>
    %reduce_sum3A_668 = vector.multi_reduction <add>, %exp3A_666, %reduce_sum3A_667 [1] : vector<256x256xf32> to vector<256xf32>
    %broadcast_in_dim3A_669 = vector.shape_cast %reduce_sum3A_668 : vector<256xf32> to vector<256x1xf32>
    %div3A_670 = vector.broadcast %broadcast_in_dim3A_669 : vector<256x1xf32> to vector<256x256xf32>
    %div3A_671 = arith.divf %exp3A_666, %div3A_670 : vector<256x256xf32>
    %dot_general3A_672 = arith.constant dense<0.000000e+00> : vector<256x64xf32>
    %dot_general3A_673 = tpu.matmul %div3A_671, %slice3A_130, %dot_general3A_672 {dimension_numbers = #tpu.dot_dimension_numbers<[1], [0], [0], [1], [0, 0, 1, 1], [], []>, transpose_lhs_hint = false} : vector<256x256xf32>, vector<256x64xf32>, vector<256x64xf32> -> vector<256x64xf32>
    %concatenate3A_674 = tpu.concatenate %dot_general3A_163, %dot_general3A_197, %dot_general3A_231, %dot_general3A_265, %dot_general3A_299, %dot_general3A_333, %dot_general3A_367, %dot_general3A_401, %dot_general3A_435, %dot_general3A_469, %dot_general3A_503, %dot_general3A_537, %dot_general3A_571, %dot_general3A_605, %dot_general3A_639, %dot_general3A_673 in 1 : vector<256x64xf32>, vector<256x64xf32>, vector<256x64xf32>, vector<256x64xf32>, vector<256x64xf32>, vector<256x64xf32>, vector<256x64xf32>, vector<256x64xf32>, vector<256x64xf32>, vector<256x64xf32>, vector<256x64xf32>, vector<256x64xf32>, vector<256x64xf32>, vector<256x64xf32>, vector<256x64xf32>, vector<256x64xf32> -> vector<256x1024xf32>
    %get3A_675 = arith.constant 0 : index
    %get3A_676 = arith.constant 0 : index
    %get3A_677 = vector.load %arg6[%get3A_675, %get3A_676] : memref<1024x1024xf32, #tpu.memory_space<vmem>>, vector<1024x1024xf32>
    %dot_general3A_678 = arith.constant dense<0.000000e+00> : vector<256x1024xf32>
    %dot_general3A_679 = tpu.matmul %concatenate3A_674, %get3A_677, %dot_general3A_678 {dimension_numbers = #tpu.dot_dimension_numbers<[1], [0], [0], [1], [0, 0, 1, 1], [], []>, transpose_lhs_hint = false} : vector<256x1024xf32>, vector<1024x1024xf32>, vector<256x1024xf32> -> vector<256x1024xf32>
    %add3A_680 = arith.addf %get3A_1, %dot_general3A_679 : vector<256x1024xf32>
    %swap3A = arith.constant 0 : index
    %swap3A_681 = arith.constant 0 : index
    %swap3A_682 = vector.load %arg9[%swap3A, %swap3A_681] : memref<256x1024xf32, #tpu.memory_space<vmem>>, vector<256x1024xf32>
    tpu.vector_store %arg9[%swap3A, %swap3A_681], %add3A_680 {strides = array<i32>} : memref<256x1024xf32, #tpu.memory_space<vmem>>, vector<256x1024xf32>,
    %get3A_683 = arith.constant 0 : index
    %get3A_684 = arith.constant 0 : index
    %get3A_685 = vector.load %arg7[%get3A_683, %get3A_684] : memref<1x1024xf32, #tpu.memory_space<vmem>>, vector<1x1024xf32>
    %mul3A_686 = arith.mulf %add3A_680, %add3A_680 : vector<256x1024xf32>
    %reduce_sum3A_687 = arith.constant dense<0.000000e+00> : vector<256xf32>
    %reduce_sum3A_688 = vector.multi_reduction <add>, %mul3A_686, %reduce_sum3A_687 [1] : vector<256x1024xf32> to vector<256xf32>
    %broadcast_in_dim3A_689 = vector.shape_cast %reduce_sum3A_688 : vector<256xf32> to vector<256x1xf32>
    %div3A_690 = arith.constant 1.024000e+03 : f32
    %div3A_691 = vector.broadcast %div3A_690 : f32 to vector<256x1xf32>
    %div3A_692 = arith.divf %broadcast_in_dim3A_689, %div3A_691 : vector<256x1xf32>
    %add3A_693 = arith.constant 9.99999997E-7 : f32
    %add3A_694 = vector.broadcast %add3A_693 : f32 to vector<256x1xf32>
    %add3A_695 = arith.addf %div3A_692, %add3A_694 : vector<256x1xf32>
    %rsqrt3A_696 = math.rsqrt %add3A_695 : vector<256x1xf32>
    %mul3A_697 = vector.broadcast %rsqrt3A_696 : vector<256x1xf32> to vector<256x1024xf32>
    %mul3A_698 = arith.mulf %add3A_680, %mul3A_697 : vector<256x1024xf32>
    %mul3A_699 = vector.broadcast %get3A_685 : vector<1x1024xf32> to vector<256x1024xf32>
    %mul3A_700 = arith.mulf %mul3A_698, %mul3A_699 : vector<256x1024xf32>
    %swap3A_701 = arith.constant 0 : index
    %swap3A_702 = arith.constant 0 : index
    %swap3A_703 = vector.load %arg10[%swap3A_701, %swap3A_702] : memref<256x1024xf32, #tpu.memory_space<vmem>>, vector<256x1024xf32>
    tpu.vector_store %arg10[%swap3A_701, %swap3A_702], %mul3A_700 {strides = array<i32>} : memref<256x1024xf32, #tpu.memory_space<vmem>>, vector<256x1024xf32>,
    %get3A_704 = arith.constant 0 : index
    %get3A_705 = arith.constant 0 : index
    %get3A_706 = vector.load %arg8[%get3A_704, %get3A_705] : memref<16x1024xf32, #tpu.memory_space<vmem>>, vector<16x1024xf32>
    %dot_general3A_707 = arith.constant dense<0.000000e+00> : vector<16x256xf32>
    %dot_general3A_708 = tpu.matmul %get3A_706, %mul3A_700, %dot_general3A_707 {dimension_numbers = #tpu.dot_dimension_numbers<[1], [1], [0], [0], [0, 0, 1, 0], [], []>, transpose_lhs_hint = false} : vector<16x1024xf32>, vector<256x1024xf32>, vector<16x256xf32> -> vector<16x256xf32>
    %slice3A_709 = vector.extract_strided_slice %dot_general3A_708 {offsets = [0, 0], sizes = [16, 16], strides = [1, 1]} : vector<16x256xf32> to vector<16x16xf32>
    %swap3A_710 = arith.constant 0 : index
    %swap3A_711 = arith.constant 0 : index
    %swap3A_712 = arith.constant 0 : index
    %swap3A_713 = vector.load %arg11[%swap3A_710, %swap3A_711, %swap3A_712] : memref<16x16x16xf32, #tpu.memory_space<vmem>>, vector<1x16x16xf32>
    %swap3A_714 = vector.shape_cast %swap3A_713 : vector<1x16x16xf32> to vector<16x16xf32>
    %swap3A_715 = vector.shape_cast %slice3A_709 : vector<16x16xf32> to vector<1x16x16xf32>
    tpu.vector_store %arg11[%swap3A_710, %swap3A_711, %swap3A_712], %swap3A_715 {strides = array<i32>} : memref<16x16x16xf32, #tpu.memory_space<vmem>>, vector<1x16x16xf32>,
    %slice3A_716 = vector.extract_strided_slice %dot_general3A_708 {offsets = [0, 16], sizes = [16, 16], strides = [1, 1]} : vector<16x256xf32> to vector<16x16xf32>
    %swap3A_717 = arith.constant 1 : index
    %swap3A_718 = arith.constant 0 : index
    %swap3A_719 = arith.constant 0 : index
    %swap3A_720 = vector.load %arg11[%swap3A_717, %swap3A_718, %swap3A_719] : memref<16x16x16xf32, #tpu.memory_space<vmem>>, vector<1x16x16xf32>
    %swap3A_721 = vector.shape_cast %swap3A_720 : vector<1x16x16xf32> to vector<16x16xf32>
    %swap3A_722 = vector.shape_cast %slice3A_716 : vector<16x16xf32> to vector<1x16x16xf32>
    tpu.vector_store %arg11[%swap3A_717, %swap3A_718, %swap3A_719], %swap3A_722 {strides = array<i32>} : memref<16x16x16xf32, #tpu.memory_space<vmem>>, vector<1x16x16xf32>,
    %slice3A_723 = vector.extract_strided_slice %dot_general3A_708 {offsets = [0, 32], sizes = [16, 16], strides = [1, 1]} : vector<16x256xf32> to vector<16x16xf32>
    %swap3A_724 = arith.constant 2 : index
    %swap3A_725 = arith.constant 0 : index
    %swap3A_726 = arith.constant 0 : index
    %swap3A_727 = vector.load %arg11[%swap3A_724, %swap3A_725, %swap3A_726] : memref<16x16x16xf32, #tpu.memory_space<vmem>>, vector<1x16x16xf32>
    %swap3A_728 = vector.shape_cast %swap3A_727 : vector<1x16x16xf32> to vector<16x16xf32>
    %swap3A_729 = vector.shape_cast %slice3A_723 : vector<16x16xf32> to vector<1x16x16xf32>
    tpu.vector_store %arg11[%swap3A_724, %swap3A_725, %swap3A_726], %swap3A_729 {strides = array<i32>} : memref<16x16x16xf32, #tpu.memory_space<vmem>>, vector<1x16x16xf32>,
    %slice3A_730 = vector.extract_strided_slice %dot_general3A_708 {offsets = [0, 48], sizes = [16, 16], strides = [1, 1]} : vector<16x256xf32> to vector<16x16xf32>
    %swap3A_731 = arith.constant 3 : index
    %swap3A_732 = arith.constant 0 : index
    %swap3A_733 = arith.constant 0 : index
    %swap3A_734 = vector.load %arg11[%swap3A_731, %swap3A_732, %swap3A_733] : memref<16x16x16xf32, #tpu.memory_space<vmem>>, vector<1x16x16xf32>
    %swap3A_735 = vector.shape_cast %swap3A_734 : vector<1x16x16xf32> to vector<16x16xf32>
    %swap3A_736 = vector.shape_cast %slice3A_730 : vector<16x16xf32> to vector<1x16x16xf32>
    tpu.vector_store %arg11[%swap3A_731, %swap3A_732, %swap3A_733], %swap3A_736 {strides = array<i32>} : memref<16x16x16xf32, #tpu.memory_space<vmem>>, vector<1x16x16xf32>,
    %slice3A_737 = vector.extract_strided_slice %dot_general3A_708 {offsets = [0, 64], sizes = [16, 16], strides = [1, 1]} : vector<16x256xf32> to vector<16x16xf32>
    %swap3A_738 = arith.constant 4 : index
    %swap3A_739 = arith.constant 0 : index
    %swap3A_740 = arith.constant 0 : index
    %swap3A_741 = vector.load %arg11[%swap3A_738, %swap3A_739, %swap3A_740] : memref<16x16x16xf32, #tpu.memory_space<vmem>>, vector<1x16x16xf32>
    %swap3A_742 = vector.shape_cast %swap3A_741 : vector<1x16x16xf32> to vector<16x16xf32>
    %swap3A_743 = vector.shape_cast %slice3A_737 : vector<16x16xf32> to vector<1x16x16xf32>
    tpu.vector_store %arg11[%swap3A_738, %swap3A_739, %swap3A_740], %swap3A_743 {strides = array<i32>} : memref<16x16x16xf32, #tpu.memory_space<vmem>>, vector<1x16x16xf32>,
    %slice3A_744 = vector.extract_strided_slice %dot_general3A_708 {offsets = [0, 80], sizes = [16, 16], strides = [1, 1]} : vector<16x256xf32> to vector<16x16xf32>
    %swap3A_745 = arith.constant 5 : index
    %swap3A_746 = arith.constant 0 : index
    %swap3A_747 = arith.constant 0 : index
    %swap3A_748 = vector.load %arg11[%swap3A_745, %swap3A_746, %swap3A_747] : memref<16x16x16xf32, #tpu.memory_space<vmem>>, vector<1x16x16xf32>
    %swap3A_749 = vector.shape_cast %swap3A_748 : vector<1x16x16xf32> to vector<16x16xf32>
    %swap3A_750 = vector.shape_cast %slice3A_744 : vector<16x16xf32> to vector<1x16x16xf32>
    tpu.vector_store %arg11[%swap3A_745, %swap3A_746, %swap3A_747], %swap3A_750 {strides = array<i32>} : memref<16x16x16xf32, #tpu.memory_space<vmem>>, vector<1x16x16xf32>,
    %slice3A_751 = vector.extract_strided_slice %dot_general3A_708 {offsets = [0, 96], sizes = [16, 16], strides = [1, 1]} : vector<16x256xf32> to vector<16x16xf32>
    %swap3A_752 = arith.constant 6 : index
    %swap3A_753 = arith.constant 0 : index
    %swap3A_754 = arith.constant 0 : index
    %swap3A_755 = vector.load %arg11[%swap3A_752, %swap3A_753, %swap3A_754] : memref<16x16x16xf32, #tpu.memory_space<vmem>>, vector<1x16x16xf32>
    %swap3A_756 = vector.shape_cast %swap3A_755 : vector<1x16x16xf32> to vector<16x16xf32>
    %swap3A_757 = vector.shape_cast %slice3A_751 : vector<16x16xf32> to vector<1x16x16xf32>
    tpu.vector_store %arg11[%swap3A_752, %swap3A_753, %swap3A_754], %swap3A_757 {strides = array<i32>} : memref<16x16x16xf32, #tpu.memory_space<vmem>>, vector<1x16x16xf32>,
    %slice3A_758 = vector.extract_strided_slice %dot_general3A_708 {offsets = [0, 112], sizes = [16, 16], strides = [1, 1]} : vector<16x256xf32> to vector<16x16xf32>
    %swap3A_759 = arith.constant 7 : index
    %swap3A_760 = arith.constant 0 : index
    %swap3A_761 = arith.constant 0 : index
    %swap3A_762 = vector.load %arg11[%swap3A_759, %swap3A_760, %swap3A_761] : memref<16x16x16xf32, #tpu.memory_space<vmem>>, vector<1x16x16xf32>
    %swap3A_763 = vector.shape_cast %swap3A_762 : vector<1x16x16xf32> to vector<16x16xf32>
    %swap3A_764 = vector.shape_cast %slice3A_758 : vector<16x16xf32> to vector<1x16x16xf32>
    tpu.vector_store %arg11[%swap3A_759, %swap3A_760, %swap3A_761], %swap3A_764 {strides = array<i32>} : memref<16x16x16xf32, #tpu.memory_space<vmem>>, vector<1x16x16xf32>,
    %slice3A_765 = vector.extract_strided_slice %dot_general3A_708 {offsets = [0, 128], sizes = [16, 16], strides = [1, 1]} : vector<16x256xf32> to vector<16x16xf32>
    %swap3A_766 = arith.constant 8 : index
    %swap3A_767 = arith.constant 0 : index
    %swap3A_768 = arith.constant 0 : index
    %swap3A_769 = vector.load %arg11[%swap3A_766, %swap3A_767, %swap3A_768] : memref<16x16x16xf32, #tpu.memory_space<vmem>>, vector<1x16x16xf32>
    %swap3A_770 = vector.shape_cast %swap3A_769 : vector<1x16x16xf32> to vector<16x16xf32>
    %swap3A_771 = vector.shape_cast %slice3A_765 : vector<16x16xf32> to vector<1x16x16xf32>
    tpu.vector_store %arg11[%swap3A_766, %swap3A_767, %swap3A_768], %swap3A_771 {strides = array<i32>} : memref<16x16x16xf32, #tpu.memory_space<vmem>>, vector<1x16x16xf32>,
    %slice3A_772 = vector.extract_strided_slice %dot_general3A_708 {offsets = [0, 144], sizes = [16, 16], strides = [1, 1]} : vector<16x256xf32> to vector<16x16xf32>
    %swap3A_773 = arith.constant 9 : index
    %swap3A_774 = arith.constant 0 : index
    %swap3A_775 = arith.constant 0 : index
    %swap3A_776 = vector.load %arg11[%swap3A_773, %swap3A_774, %swap3A_775] : memref<16x16x16xf32, #tpu.memory_space<vmem>>, vector<1x16x16xf32>
    %swap3A_777 = vector.shape_cast %swap3A_776 : vector<1x16x16xf32> to vector<16x16xf32>
    %swap3A_778 = vector.shape_cast %slice3A_772 : vector<16x16xf32> to vector<1x16x16xf32>
    tpu.vector_store %arg11[%swap3A_773, %swap3A_774, %swap3A_775], %swap3A_778 {strides = array<i32>} : memref<16x16x16xf32, #tpu.memory_space<vmem>>, vector<1x16x16xf32>,
    %slice3A_779 = vector.extract_strided_slice %dot_general3A_708 {offsets = [0, 160], sizes = [16, 16], strides = [1, 1]} : vector<16x256xf32> to vector<16x16xf32>
    %swap3A_780 = arith.constant 10 : index
    %swap3A_781 = arith.constant 0 : index
    %swap3A_782 = arith.constant 0 : index
    %swap3A_783 = vector.load %arg11[%swap3A_780, %swap3A_781, %swap3A_782] : memref<16x16x16xf32, #tpu.memory_space<vmem>>, vector<1x16x16xf32>
    %swap3A_784 = vector.shape_cast %swap3A_783 : vector<1x16x16xf32> to vector<16x16xf32>
    %swap3A_785 = vector.shape_cast %slice3A_779 : vector<16x16xf32> to vector<1x16x16xf32>
    tpu.vector_store %arg11[%swap3A_780, %swap3A_781, %swap3A_782], %swap3A_785 {strides = array<i32>} : memref<16x16x16xf32, #tpu.memory_space<vmem>>, vector<1x16x16xf32>,
    %slice3A_786 = vector.extract_strided_slice %dot_general3A_708 {offsets = [0, 176], sizes = [16, 16], strides = [1, 1]} : vector<16x256xf32> to vector<16x16xf32>
    %swap3A_787 = arith.constant 11 : index
    %swap3A_788 = arith.constant 0 : index
    %swap3A_789 = arith.constant 0 : index
    %swap3A_790 = vector.load %arg11[%swap3A_787, %swap3A_788, %swap3A_789] : memref<16x16x16xf32, #tpu.memory_space<vmem>>, vector<1x16x16xf32>
    %swap3A_791 = vector.shape_cast %swap3A_790 : vector<1x16x16xf32> to vector<16x16xf32>
    %swap3A_792 = vector.shape_cast %slice3A_786 : vector<16x16xf32> to vector<1x16x16xf32>
    tpu.vector_store %arg11[%swap3A_787, %swap3A_788, %swap3A_789], %swap3A_792 {strides = array<i32>} : memref<16x16x16xf32, #tpu.memory_space<vmem>>, vector<1x16x16xf32>,
    %slice3A_793 = vector.extract_strided_slice %dot_general3A_708 {offsets = [0, 192], sizes = [16, 16], strides = [1, 1]} : vector<16x256xf32> to vector<16x16xf32>
    %swap3A_794 = arith.constant 12 : index
    %swap3A_795 = arith.constant 0 : index
    %swap3A_796 = arith.constant 0 : index
    %swap3A_797 = vector.load %arg11[%swap3A_794, %swap3A_795, %swap3A_796] : memref<16x16x16xf32, #tpu.memory_space<vmem>>, vector<1x16x16xf32>
    %swap3A_798 = vector.shape_cast %swap3A_797 : vector<1x16x16xf32> to vector<16x16xf32>
    %swap3A_799 = vector.shape_cast %slice3A_793 : vector<16x16xf32> to vector<1x16x16xf32>
    tpu.vector_store %arg11[%swap3A_794, %swap3A_795, %swap3A_796], %swap3A_799 {strides = array<i32>} : memref<16x16x16xf32, #tpu.memory_space<vmem>>, vector<1x16x16xf32>,
    %slice3A_800 = vector.extract_strided_slice %dot_general3A_708 {offsets = [0, 208], sizes = [16, 16], strides = [1, 1]} : vector<16x256xf32> to vector<16x16xf32>
    %swap3A_801 = arith.constant 13 : index
    %swap3A_802 = arith.constant 0 : index
    %swap3A_803 = arith.constant 0 : index
    %swap3A_804 = vector.load %arg11[%swap3A_801, %swap3A_802, %swap3A_803] : memref<16x16x16xf32, #tpu.memory_space<vmem>>, vector<1x16x16xf32>
    %swap3A_805 = vector.shape_cast %swap3A_804 : vector<1x16x16xf32> to vector<16x16xf32>
    %swap3A_806 = vector.shape_cast %slice3A_800 : vector<16x16xf32> to vector<1x16x16xf32>
    tpu.vector_store %arg11[%swap3A_801, %swap3A_802, %swap3A_803], %swap3A_806 {strides = array<i32>} : memref<16x16x16xf32, #tpu.memory_space<vmem>>, vector<1x16x16xf32>,
    %slice3A_807 = vector.extract_strided_slice %dot_general3A_708 {offsets = [0, 224], sizes = [16, 16], strides = [1, 1]} : vector<16x256xf32> to vector<16x16xf32>
    %swap3A_808 = arith.constant 14 : index
    %swap3A_809 = arith.constant 0 : index
    %swap3A_810 = arith.constant 0 : index
    %swap3A_811 = vector.load %arg11[%swap3A_808, %swap3A_809, %swap3A_810] : memref<16x16x16xf32, #tpu.memory_space<vmem>>, vector<1x16x16xf32>
    %swap3A_812 = vector.shape_cast %swap3A_811 : vector<1x16x16xf32> to vector<16x16xf32>
    %swap3A_813 = vector.shape_cast %slice3A_807 : vector<16x16xf32> to vector<1x16x16xf32>
    tpu.vector_store %arg11[%swap3A_808, %swap3A_809, %swap3A_810], %swap3A_813 {strides = array<i32>} : memref<16x16x16xf32, #tpu.memory_space<vmem>>, vector<1x16x16xf32>,
    %slice3A_814 = vector.extract_strided_slice %dot_general3A_708 {offsets = [0, 240], sizes = [16, 16], strides = [1, 1]} : vector<16x256xf32> to vector<16x16xf32>
    %swap3A_815 = arith.constant 15 : index
    %swap3A_816 = arith.constant 0 : index
    %swap3A_817 = arith.constant 0 : index
    %swap3A_818 = vector.load %arg11[%swap3A_815, %swap3A_816, %swap3A_817] : memref<16x16x16xf32, #tpu.memory_space<vmem>>, vector<1x16x16xf32>
    %swap3A_819 = vector.shape_cast %swap3A_818 : vector<1x16x16xf32> to vector<16x16xf32>
    %swap3A_820 = vector.shape_cast %slice3A_814 : vector<16x16xf32> to vector<1x16x16xf32>
    tpu.vector_store %arg11[%swap3A_815, %swap3A_816, %swap3A_817], %swap3A_820 {strides = array<i32>} : memref<16x16x16xf32, #tpu.memory_space<vmem>>, vector<1x16x16xf32>,
    return
  }
}

module attributes {stable_mosaic.version = 14 : i64} {
  func.func @_moe_body(%arg0: i32, %arg1: memref<256x1024xf32, #tpu.memory_space<vmem>>, %arg2: memref<256x1024xf32, #tpu.memory_space<vmem>>, %arg3: memref<256x1xi32, #tpu.memory_space<vmem>>, %arg4: memref<256x1xi32, #tpu.memory_space<vmem>>, %arg5: memref<256x1xf32, #tpu.memory_space<vmem>>, %arg6: memref<256x1xf32, #tpu.memory_space<vmem>>, %arg7: memref<1x1024x1536xf32, #tpu.memory_space<vmem>>, %arg8: memref<1x768x1024xf32, #tpu.memory_space<vmem>>, %arg9: memref<256x1024xf32, #tpu.memory_space<vmem>>) attributes {dimension_semantics = [#tpu.dimension_semantics<arbitrary>], iteration_bounds = array<i64: 16>, scalar_prefetch = 0 : i64, scratch_operands = 0 : i64, tpu.core_type = #tpu.core_type<tc>, window_params = [{pipeline_mode = #tpu.pipeline_mode<synchronous>, transform_indices = @transform_0, window_bounds = array<i64: 256, 1024>}, {pipeline_mode = #tpu.pipeline_mode<synchronous>, transform_indices = @transform_1, window_bounds = array<i64: 256, 1024>}, {pipeline_mode = #tpu.pipeline_mode<synchronous>, transform_indices = @transform_2, window_bounds = array<i64: 256, 1>}, {pipeline_mode = #tpu.pipeline_mode<synchronous>, transform_indices = @transform_3, window_bounds = array<i64: 256, 1>}, {pipeline_mode = #tpu.pipeline_mode<synchronous>, transform_indices = @transform_4, window_bounds = array<i64: 256, 1>}, {pipeline_mode = #tpu.pipeline_mode<synchronous>, transform_indices = @transform_5, window_bounds = array<i64: 256, 1>}, {transform_indices = @transform_6, window_bounds = array<i64: 1, 1024, 1536>}, {transform_indices = @transform_7, window_bounds = array<i64: 1, 768, 1024>}, {pipeline_mode = #tpu.pipeline_mode<synchronous>, transform_indices = @transform_8, window_bounds = array<i64: 256, 1024>}]} {
    %eq3A = arith.constant 0 : i32
    %eq3A_0 = arith.cmpi eq, %arg0, %eq3A : i32
    %convert_element_type3A = arith.extui %eq3A_0 : i1 to i32
    %cond3A = arith.constant 0 : i32
    %cond3A_1 = arith.cmpi ne, %convert_element_type3A, %cond3A : i32
    scf.if %cond3A_1 {
      %get3A_68 = arith.constant 0 : index
      %get3A_69 = arith.constant 0 : index
      %get3A_70 = vector.load %arg1[%get3A_68, %get3A_69] : memref<256x1024xf32, #tpu.memory_space<vmem>>, vector<256x1024xf32>
      %swap3A_71 = arith.constant 0 : index
      %swap3A_72 = arith.constant 0 : index
      %swap3A_73 = vector.load %arg9[%swap3A_71, %swap3A_72] : memref<256x1024xf32, #tpu.memory_space<vmem>>, vector<256x1024xf32>
      tpu.vector_store %arg9[%swap3A_71, %swap3A_72], %get3A_70 {strides = array<i32>} : memref<256x1024xf32, #tpu.memory_space<vmem>>, vector<256x1024xf32>,
    } else {
    }
    %get3A = arith.constant 0 : index
    %get3A_2 = arith.constant 0 : index
    %get3A_3 = vector.load %arg2[%get3A, %get3A_2] : memref<256x1024xf32, #tpu.memory_space<vmem>>, vector<256x1024xf32>
    %convert_element_type3A_4 = arith.truncf %get3A_3 : vector<256x1024xf32> to vector<256x1024xbf16>
    %broadcast_in_dim3A = arith.constant 0.000000e+00 : f32
    %broadcast_in_dim3A_5 = vector.broadcast %broadcast_in_dim3A : f32 to vector<256x1024xf32>
    %mul3A = arith.constant 1 : i32
    %mul3A_6 = arith.muli %arg0, %mul3A : i32
    %add3A = arith.constant 0 : i32
    %add3A_7 = arith.addi %mul3A_6, %add3A : i32
    %get3A_8 = arith.constant 0 : index
    %get3A_9 = arith.constant 0 : index
    %get3A_10 = arith.constant 0 : index
    %get3A_11 = vector.load %arg7[%get3A_8, %get3A_9, %get3A_10] : memref<1x1024x1536xf32, #tpu.memory_space<vmem>>, vector<1x1024x768xf32>
    %get3A_12 = vector.shape_cast %get3A_11 : vector<1x1024x768xf32> to vector<1024x768xf32>
    %convert_element_type3A_13 = arith.truncf %get3A_12 : vector<1024x768xf32> to vector<1024x768xbf16>
    %dot_general3A = arith.constant dense<0.000000e+00> : vector<256x768xf32>
    %dot_general3A_14 = tpu.matmul %convert_element_type3A_4, %convert_element_type3A_13, %dot_general3A {dimension_numbers = #tpu.dot_dimension_numbers<[1], [0], [0], [1], [0, 0, 1, 1], [], []>, transpose_lhs_hint = false} : vector<256x1024xbf16>, vector<1024x768xbf16>, vector<256x768xf32> -> vector<256x768xf32>
    %get3A_15 = arith.constant 0 : index
    %get3A_16 = arith.constant 0 : index
    %get3A_17 = arith.constant 768 : index
    %get3A_18 = vector.load %arg7[%get3A_15, %get3A_16, %get3A_17] : memref<1x1024x1536xf32, #tpu.memory_space<vmem>>, vector<1x1024x768xf32>
    %get3A_19 = vector.shape_cast %get3A_18 : vector<1x1024x768xf32> to vector<1024x768xf32>
    %convert_element_type3A_20 = arith.truncf %get3A_19 : vector<1024x768xf32> to vector<1024x768xbf16>
    %dot_general3A_21 = arith.constant dense<0.000000e+00> : vector<256x768xf32>
    %dot_general3A_22 = tpu.matmul %convert_element_type3A_4, %convert_element_type3A_20, %dot_general3A_21 {dimension_numbers = #tpu.dot_dimension_numbers<[1], [0], [0], [1], [0, 0, 1, 1], [], []>, transpose_lhs_hint = false} : vector<256x1024xbf16>, vector<1024x768xbf16>, vector<256x768xf32> -> vector<256x768xf32>
    %neg3A = arith.constant 0.000000e+00 : f32
    %neg3A_23 = vector.broadcast %neg3A : f32 to vector<256x768xf32>
    %neg3A_24 = arith.subf %neg3A_23, %dot_general3A_14 : vector<256x768xf32>
    %exp3A = math.exp %neg3A_24 : vector<256x768xf32>
    %add3A_25 = arith.constant 1.000000e+00 : f32
    %add3A_26 = vector.broadcast %add3A_25 : f32 to vector<256x768xf32>
    %add3A_27 = arith.addf %add3A_26, %exp3A : vector<256x768xf32>
    %div3A = arith.divf %dot_general3A_14, %add3A_27 : vector<256x768xf32>
    %mul3A_28 = arith.mulf %div3A, %dot_general3A_22 : vector<256x768xf32>
    %convert_element_type3A_29 = arith.truncf %mul3A_28 : vector<256x768xf32> to vector<256x768xbf16>
    %get3A_30 = arith.constant 0 : index
    %get3A_31 = arith.constant 0 : index
    %get3A_32 = arith.constant 0 : index
    %get3A_33 = vector.load %arg8[%get3A_30, %get3A_31, %get3A_32] : memref<1x768x1024xf32, #tpu.memory_space<vmem>>, vector<1x768x1024xf32>
    %get3A_34 = vector.shape_cast %get3A_33 : vector<1x768x1024xf32> to vector<768x1024xf32>
    %convert_element_type3A_35 = arith.truncf %get3A_34 : vector<768x1024xf32> to vector<768x1024xbf16>
    %dot_general3A_36 = arith.constant dense<0.000000e+00> : vector<256x1024xf32>
    %dot_general3A_37 = tpu.matmul %convert_element_type3A_29, %convert_element_type3A_35, %dot_general3A_36 {dimension_numbers = #tpu.dot_dimension_numbers<[1], [0], [0], [1], [0, 0, 1, 1], [], []>, transpose_lhs_hint = false} : vector<256x768xbf16>, vector<768x1024xbf16>, vector<256x1024xf32> -> vector<256x1024xf32>
    %get3A_38 = arith.constant 0 : index
    %get3A_39 = arith.constant 0 : index
    %get3A_40 = vector.load %arg3[%get3A_38, %get3A_39] : memref<256x1xi32, #tpu.memory_space<vmem>>, vector<256x1xi32>
    %eq3A_41 = vector.broadcast %add3A_7 : i32 to vector<256x1xi32>
    %eq3A_42 = arith.cmpi eq, %get3A_40, %eq3A_41 : vector<256x1xi32>
    %get3A_43 = arith.constant 0 : index
    %get3A_44 = arith.constant 0 : index
    %get3A_45 = vector.load %arg5[%get3A_43, %get3A_44] : memref<256x1xf32, #tpu.memory_space<vmem>>, vector<256x1xf32>
    %jit3A = arith.constant 0.000000e+00 : f32
    %broadcast_in_dim3A_46 = vector.broadcast %jit3A : f32 to vector<256x1xf32>
    %select_n3A = arith.select %eq3A_42, %get3A_45, %broadcast_in_dim3A_46 : vector<256x1xi1>, vector<256x1xf32>
    %get3A_47 = arith.constant 0 : index
    %get3A_48 = arith.constant 0 : index
    %get3A_49 = vector.load %arg4[%get3A_47, %get3A_48] : memref<256x1xi32, #tpu.memory_space<vmem>>, vector<256x1xi32>
    %eq3A_50 = vector.broadcast %add3A_7 : i32 to vector<256x1xi32>
    %eq3A_51 = arith.cmpi eq, %get3A_49, %eq3A_50 : vector<256x1xi32>
    %get3A_52 = arith.constant 0 : index
    %get3A_53 = arith.constant 0 : index
    %get3A_54 = vector.load %arg6[%get3A_52, %get3A_53] : memref<256x1xf32, #tpu.memory_space<vmem>>, vector<256x1xf32>
    %jit3A_55 = arith.constant 0.000000e+00 : f32
    %broadcast_in_dim3A_56 = vector.broadcast %jit3A_55 : f32 to vector<256x1xf32>
    %select_n3A_57 = arith.select %eq3A_51, %get3A_54, %broadcast_in_dim3A_56 : vector<256x1xi1>, vector<256x1xf32>
    %add3A_58 = arith.addf %select_n3A, %select_n3A_57 : vector<256x1xf32>
    %mul3A_59 = vector.broadcast %add3A_58 : vector<256x1xf32> to vector<256x1024xf32>
    %mul3A_60 = arith.mulf %mul3A_59, %dot_general3A_37 : vector<256x1024xf32>
    %add3A_61 = arith.addf %broadcast_in_dim3A_5, %mul3A_60 : vector<256x1024xf32>
    %get3A_62 = arith.constant 0 : index
    %get3A_63 = arith.constant 0 : index
    %get3A_64 = vector.load %arg9[%get3A_62, %get3A_63] : memref<256x1024xf32, #tpu.memory_space<vmem>>, vector<256x1024xf32>
    %add3A_65 = arith.addf %get3A_64, %add3A_61 : vector<256x1024xf32>
    %swap3A = arith.constant 0 : index
    %swap3A_66 = arith.constant 0 : index
    %swap3A_67 = vector.load %arg9[%swap3A, %swap3A_66] : memref<256x1024xf32, #tpu.memory_space<vmem>>, vector<256x1024xf32>
    tpu.vector_store %arg9[%swap3A, %swap3A_66], %add3A_65 {strides = array<i32>} : memref<256x1024xf32, #tpu.memory_space<vmem>>, vector<256x1024xf32>,
    return
  }
  func.func @transform_0(%arg0: i32) -> (i32, i32) {
    %c0_i32 = arith.constant 0 : i32
    %c0_i32_0 = arith.constant 0 : i32
    %c0_i32_1 = arith.constant 0 : i32
    return %c0_i32, %c0_i32_0 : i32, i32
  }
  func.func @transform_1(%arg0: i32) -> (i32, i32) {
    %c0_i32 = arith.constant 0 : i32
    %c0_i32_0 = arith.constant 0 : i32
    %c0_i32_1 = arith.constant 0 : i32
    return %c0_i32, %c0_i32_0 : i32, i32
  }
  func.func @transform_2(%arg0: i32) -> (i32, i32) {
    %c0_i32 = arith.constant 0 : i32
    %c0_i32_0 = arith.constant 0 : i32
    %c0_i32_1 = arith.constant 0 : i32
    return %c0_i32, %c0_i32_0 : i32, i32
  }
  func.func @transform_3(%arg0: i32) -> (i32, i32) {
    %c0_i32 = arith.constant 0 : i32
    %c0_i32_0 = arith.constant 0 : i32
    %c0_i32_1 = arith.constant 0 : i32
    return %c0_i32, %c0_i32_0 : i32, i32
  }
  func.func @transform_4(%arg0: i32) -> (i32, i32) {
    %c0_i32 = arith.constant 0 : i32
    %c0_i32_0 = arith.constant 0 : i32
    %c0_i32_1 = arith.constant 0 : i32
    return %c0_i32, %c0_i32_0 : i32, i32
  }
  func.func @transform_5(%arg0: i32) -> (i32, i32) {
    %c0_i32 = arith.constant 0 : i32
    %c0_i32_0 = arith.constant 0 : i32
    %c0_i32_1 = arith.constant 0 : i32
    return %c0_i32, %c0_i32_0 : i32, i32
  }
  func.func @transform_6(%arg0: i32) -> (i32, i32, i32) {
    %c0_i32 = arith.constant 0 : i32
    %c0_i32_0 = arith.constant 0 : i32
    %c0_i32_1 = arith.constant 0 : i32
    return %arg0, %c0_i32, %c0_i32_0 : i32, i32, i32
  }
  func.func @transform_7(%arg0: i32) -> (i32, i32, i32) {
    %c0_i32 = arith.constant 0 : i32
    %c0_i32_0 = arith.constant 0 : i32
    %c0_i32_1 = arith.constant 0 : i32
    return %arg0, %c0_i32, %c0_i32_0 : i32, i32, i32
  }
  func.func @transform_8(%arg0: i32) -> (i32, i32) {
    %c0_i32 = arith.constant 0 : i32
    %c0_i32_0 = arith.constant 0 : i32
    %c0_i32_1 = arith.constant 0 : i32
    return %c0_i32, %c0_i32_0 : i32, i32
  }
}

</mosaic_0001>

<sc_bundles>
// kernel: kernel.5.cloned.1.call-start
scs
__scs_entry_jumppad:
0x0: {  	(pc) =	sbr.rel $0x88, $3  }
0x1: {  	(tag) =	ssettag $0x0;
	lr =	simm.s32 $0x1  }
0x2: {  	[smem:$0x3F96] =	sst lr;
	_ =	strace $0xD0000000  }
0x3: {  	_ = 	snop  }
0x4: {  	_ = 	snop  }
0x5: {  	_ = 	snop  }
0x6: {  	_ = 	snop  }
0x7: {  	_ = 	snop  }
__scs_overlays_trampoline_lowered:
0x8: {  	[smem:$0x3FA5] =	sst s0  }
0x9: {  	[smem:$0x3FA6] =	sst s1  }
0xa: {  	[smem:$0x3FA7] =	sst s2  }
0xb: {  	[smem:$0x3FA8] =	sst s3  }
0xc: {  	[smem:$0x3FA9] =	sst s4  }
0xd: {  	[smem:$0x3FAA] =	sst s5  }
0xe: {  	[smem:$0x3FAB] =	sst s6  }
0xf: {  	[smem:$0x3FAC] =	sst s7  }
0x10: {  	[smem:$0x3FAD] =	sst s8  }
0x11: {  	[smem:$0x3FAE] =	sst s9;
	s0 =	simm.s32 @!p0 $0x0  }
0x12: {  	s1 =	sld [smem:$0x3F94];
	s0 =	simm.s32 @p0 $0x1  }
0x13: {  	[smem:$0x3FAF] =	sst s0;
	s0 =	simm.s32 @!p1 $0x0  }
0x14: {  	s2 =	sld [smem:$0x3F93];
	s0 =	simm.s32 @p1 $0x1  }
0x15: {  	[smem:$0x3FB0] =	sst s0;
	s0 =	simm.s32 @!p2 $0x0  }
0x16: {  	s3 =	sld [smem:$0x3FDB];
	s0 =	simm.s32 @p2 $0x1  }
0x17: {  	s4 =	simm.s32 $0x1BF5;
	[smem:$0x3FB2] =	sst s0  }
0x18: {  	s0 =	sld [smem:$0x3F95];
	_ =	swait.ge [sflag:s4], $0x0  }
0x19: {  	s7 =	sld [smem:$0x3F96]  }
0x1a: {  	s8 =	sadd.s32 $0xFFFFE003, lr  }
0x1b: {  	s9 =	sadd.s32 $0xFFFFFEF7, lr;
	s5 =	simm.s32 $0xFFFFFFFF;
	p2 =	slt.u32 s8, $0xFFFFF086  }
0x1c: {  	p1 =	slt.u32 s9, $0xF7A;
	s5 =	simm.s32 @!p2 $0x0  }
0x1d: {  	s5 =	simm.s32 @p1 $0x1;
	p0 =	seq.s32 s7, s2  }
0x1e: {  	s7 =	smul.u32 @!p0 $0xF7A, s2;
	p2 =	seq.s32 @!p0 s5, $0x0  }
0x1f: {  	s9 =	smul.u32 $0xF7A, s1;
	s8 =	simm.s32 @!p0 $0x1BF5;
	p2 =	por !p2, p0  }
0x20: {  	[sflag:s8] =	ssyncset.s32 @!p0 $0xFFFFF086;
	s6 =	sadd.s32 @!p0 s3, s7;
	s7 =	simm.s32 @!p0 $0x108  }
0x21: {  	s3 =	sadd.s32 s3, s9;
	s6 =	sadd.s32 @!p0 $0x88, s6;
	s7 =	simm.s32 @p2 $0x1082  }
0x22: {  	[simem:s7], [sflag:s8] =	dma.local @!p0 [hbm:s6], $0xF7A  }
0x23: {  	s9 =	sor.u32 $0xD0000000, s2;
	s6 =	simm.s32 $0x108;
	_ =	swait.ge @!p0 [sflag:s8], $0x0  }
0x24: {  	s3 =	sadd.s32 $0x88, s3;
	s6 =	simm.s32 @!p1 $0x1082;
	[sflag:s4] =	ssyncset.s32 $0xFFFFF086  }
0x25: {  	[simem:s6], [sflag:s4] =	dma.local [hbm:s3], $0xF7A  }
0x26: {  	[smem:$0x3F96] =	sst s1;
	(tag) =	ssettag s2;
	_ =	strace s9  }
0x27: {  	s1 =	sld [smem:$0x3FA6]  }
0x28: {  	s2 =	sld [smem:$0x3FA7]  }
0x29: {  	s4 =	sld [smem:$0x3FA9]  }
0x2a: {  	p0 =	seq.s32 s5, $0x0;
	s5 =	sld [smem:$0x3FAA]  }
0x2b: {  	s6 =	sld [smem:$0x3FAB]  }
0x2c: {  	s7 =	sld [smem:$0x3FAC]  }
0x2d: {  	s3 =	simm.s32 $0x108;
	s8 =	sld [smem:$0x3FAD]  }
0x2e: {  	s3 =	simm.s32 @!p0 $0x1082;
	s9 =	sld [smem:$0x3FAE]  }
0x2f: {  	lr =	sadd.s32 s0, s3;
	s0 =	sld [smem:$0x3FA5]  }
0x30: {  	s3 =	sld [smem:$0x3FA8]  }
0x31: {  	[smem:$0x3FB1] =	sst s10  }
0x32: {  	s10 =	sld [smem:$0x3FAF];
	_ =	sdelay $0x3  }
0x33: {  	p0 =	seq.s32 s10, $0x1;
	s10 =	sld [smem:$0x3FB1];
	_ =	sdelay $0x3  }
0x34: {  	[smem:$0x3FB1] =	sst s10  }
0x35: {  	s10 =	sld [smem:$0x3FB0];
	_ =	sdelay $0x3  }
0x36: {  	p1 =	seq.s32 s10, $0x1;
	s10 =	sld [smem:$0x3FB1];
	_ =	sdelay $0x3  }
0x37: {  	[smem:$0x3FB1] =	sst s10  }
0x38: {  	s10 =	sld [smem:$0x3FB2]  }
0x39: {  	_ = 	snop;
	(pc) =	sbr.ind lr, $3  }
0x3a: {  	_ = 	snop  }
0x3b: {  	_ = 	snop  }
0x3c: {  	p2 =	seq.s32 s10, $0x1;
	s10 =	sld [smem:$0x3FB1]  }
0x3d: {  	_ =	shalt  }
0x3e: {  	_ =	shalt  }
0x3f: {  	_ =	shalt  }
0x40: {  	_ =	shalt  }
0x41: {  	_ =	shalt  }
0x42: {  	_ =	shalt  }
0x43: {  	_ =	shalt  }
0x44: {  	_ =	shalt  }
0x45: {  	_ =	shalt  }
0x46: {  	_ =	shalt  }
0x47: {  	_ =	shalt  }
0x48: {  	_ =	shalt  }
0x49: {  	_ =	shalt  }
0x4a: {  	_ =	shalt  }
0x4b: {  	_ =	shalt  }
0x4c: {  	_ =	shalt  }
0x4d: {  	_ =	shalt  }
0x4e: {  	_ =	shalt  }
0x4f: {  	_ =	shalt  }
0x50: {  	_ =	shalt  }
0x51: {  	_ =	shalt  }
0x52: {  	_ =	shalt  }
0x53: {  	_ =	shalt  }
0x54: {  	_ =	shalt  }
0x55: {  	_ =	shalt  }
0x56: {  	_ =	shalt  }
0x57: {  	_ =	shalt  }
0x58: {  	_ =	shalt  }
0x59: {  	_ =	shalt  }
0x5a: {  	_ =	shalt  }
0x5b: {  	_ =	shalt  }
0x5c: {  	_ =	shalt  }
0x5d: {  	_ =	shalt  }
0x5e: {  	_ =	shalt  }
0x5f: {  	_ =	shalt  }
0x60: {  	_ =	shalt  }
0x61: {  	_ =	shalt  }
0x62: {  	_ =	shalt  }
0x63: {  	_ =	shalt  }
0x64: {  	_ =	shalt  }
0x65: {  	_ =	shalt  }
0x66: {  	_ =	shalt  }
0x67: {  	_ =	shalt  }
0x68: {  	_ =	shalt  }
0x69: {  	_ =	shalt  }
0x6a: {  	_ =	shalt  }
0x6b: {  	_ =	shalt  }
0x6c: {  	_ =	shalt  }
0x6d: {  	_ =	shalt  }
0x6e: {  	_ =	shalt  }
0x6f: {  	_ =	shalt  }
0x70: {  	_ =	shalt  }
0x71: {  	_ =	shalt  }
0x72: {  	_ =	shalt  }
0x73: {  	_ =	shalt  }
0x74: {  	_ =	shalt  }
0x75: {  	_ =	shalt  }
0x76: {  	_ =	shalt  }
0x77: {  	_ =	shalt  }
0x78: {  	_ =	shalt  }
0x79: {  	_ =	shalt  }
0x7a: {  	_ =	shalt  }
0x7b: {  	_ =	shalt  }
0x7c: {  	_ =	shalt  }
0x7d: {  	_ =	shalt  }
0x7e: {  	_ =	shalt  }
0x7f: {  	_ =	shalt  }
0x80: {  	_ =	shalt  }
0x81: {  	_ =	shalt  }
0x82: {  	_ =	shalt  }
0x83: {  	_ =	shalt  }
0x84: {  	_ =	shalt  }
0x85: {  	_ =	shalt  }
0x86: {  	_ =	shalt  }
0x87: {  	_ =	shalt  }
.Lfunc_end0:
.L_simem_size_0:
called_computation_lowered:
.L_overlay_start_0:
0x88: {  	s2 =	sld [smem:$0x3FD9]  }
0x89: {  	s3 =	sld [smem:$0x3FFE];
	_ =	sdelay $0x1  }
0x8a: {  	s1 =	srdreg.scid  }
0x8b: {  	s0 =	sand.u32 $0x1, s1  }
0x8c: {  	s17 =	sshll.u32 s0, $0xA;
	s2 =	sadd.s32 s3, s2  }
0x8d: {  	s2 =	sadd.s32 s2, s17  }
0x8e: {  	[smem:$0x3FBD] =	sst s2  }
0x8f: {  	_ = 	snop  }
0x90: {  	s2 =	sld [smem:$0x3FD0];
	(tm) =	ssettm $0x1  }
0x91: {  	s18 =	sld [smem:$0x3FFB];
	_ =	sdelay $0x3  }
0x92: {  	_ =	strace s18  }
0x93: {  	s3 =	sld [smem:$0x3FFC];
	_ =	sdelay $0x3  }
0x94: {  	_ =	strace s3  }
0x95: {  	s3 =	sld [smem:$0x3FFD];
	_ =	sdelay $0x3  }
0x96: {  	_ =	strace s3  }
0x97: {  	_ =	strace $0x8FFFFFFF  }
0x98: {  	s19 =	sld [smem:$0x3FDB];
	_ =	sdelay $0x1  }
0x99: {  	s4 =	simm.s32 $_scs_section_size  }
0x9a: {  	s5 =	simm.s32 $_size__tile_overlayer_lowered;
	s6 =	simm.s32 $_tile_overlayer_lowered  }
0x9b: {  	s22 =	simm.s32 $0x1BFF;
	s21 =	sshll.u32 s6, $0x1;
	s3 =	sadd.s32 s4, s19  }
0x9c: {  	s7 =	simm.s32 $0x0;
	s20 =	sshll.u32 s5, $0x1;
	s5 =	sadd.s32 s21, s3  }
0x9d: {  	[timem:s7], [sflag:s22] =	dma.local [hbm:s5], s20  }
0x9e: {  	_ =	swait.ge [sflag:s22], s20  }
0x9f: {  	s4 =	ssub.s32 $0x0, s20;
	[sflag:s22] =	ssyncset.done $0x0  }
0xa0: {  	[sflag:s22] =	ssyncadd.s32 s4;
	_ =	sdelay $0x1  }
0xa1: {  	s23 =	simm.s32 $0x1B8B  }
0xa2: {  	_ =	swait.ge [sflag:s23], $0x1  }
0xa3: {  	[sflag:s23] =	ssyncset.done $0x0  }
0xa4: {  	s25 =	simm.s32 $0x1B8E;
	s24 =	sld [smem:$0x3FFE];
	[sflag:s23] =	ssyncadd.s32 $0xFFFFFFFF  }
0xa5: {  	s26 =	simm.s32 $execute0_lowered;
	[smem:$0x3FD2] =	sst s25  }
0xa6: {  	s5 =	sshll.u32 s26, $0x1;
	_ =	strace $0x80000046;
	[dreg:$0x1] =	wrdreg $0xFFFFFFFF  }
0xa7: {  	s28 =	simm.s32 $_size_execute0_lowered;
	s3 =	sadd.s32 s3, s5;
	[dreg:$0x0] =	wrdreg $0x0  }
0xa8: {  	s5 =	sshll.u32 s28, $0x1;
	[dreg:$0x2] =	wrdreg s3  }
0xa9: {  	[dreg:$0x3] =	wrdreg s5  }
0xaa: {  	[dreg:$0x4] =	wrdreg $0xC0  }
0xab: {  	_ =	task [dreg:s7], $0x5FFFF  }
0xac: {  	[dreg:$0x1] =	wrdreg $0xFFFFFFFF  }
0xad: {  	[dreg:$0x0] =	wrdreg $0x60  }
0xae: {  	[dreg:$0x2] =	wrdreg s2  }
0xaf: {  	[dreg:$0x3] =	wrdreg s24  }
0xb0: {  	[dreg:$0x4] =	wrdreg $0x9  }
0xb1: {  	_ =	task.clear_ibuf [dreg:s7], $0x5FFFF;
	_ =	strace $0x90000046  }
0xb2: {  	s29 =	simm.s32 $0x9;
	_ =	strace $0x80000048  }
0xb3: {  	_ =	swait.ge [sflag:s29], $0x1  }
0xb4: {  	[sflag:s29] =	ssyncadd.s32 $0xFFFFFFFF  }
0xb5: {  	_ =	strace $0x90000048  }
0xb6: {  	_ =	sfence  }
0xb7: {  	s30 =	sld [smem:$0x0];
	_ =	sdelay $0x2  }
0xb8: {  	s31 =	sshll.u32 s1, $0xD;
	s1 =	sshrl.u32 s1, $0x2  }
0xb9: {  	s3 =	sand.u32 $0x4000, s31;
	s1 =	sadd.s32 s1, s30  }
0xba: {  	s0 =	sor.u32 s3, s0;
	s1 =	sshll.u32 s1, $0x11  }
0xbb: {  	s0 =	sor.u32 s1, s0  }
0xbc: {  	s0 =	sadd.s32 $0x8F2B, s0  }
0xbd: {  	[sflag:s0] =	ssyncadd.remote.s32 $0x1  }
0xbe: {  	_ =	sfence.sel $0xFFFF  }
0xbf: {  	[dreg:$0x0] =	wrdreg $0xFFFFFFFF;
	(pc) =	sbr.abs _section_cstart, $3  }
0xc0: {  	[dreg:$0x1] =	wrdreg $0xFFFFFFFF  }
0xc1: {  	_ =	task.clear_ibuf [dreg:s7], $0x2FFFF;
	_ =	strace $0x9FFFFFFF  }
0xc2: {  	(tm) =	ssettm $0x7FFFFFFF  }
0xc3: {  	_ =	shalt  }
tec
execute0_lowered:
.L_overlay_start_1:
0x0: {  	(tag) =	ssettag $0x1  }
0x1: {  	s1 =	stileid.u32  }
0x2: {  	p0 =	sgt.u32 s1, $0x7  }
.Ltmp0:
0x3: {  	_ = 	snop;
	(pc) =	sbr.rel @p0 .LBB2_4-.Ltmp0, $4  }
0x4: {  	s3 =	rddreg [dreg:$0x0]  }
0x5: {  	s5 =	rddreg [dreg:$0x1];
	s2 =	simm.s32 $0x0  }
0x6: {  	[smem:$0x7FF] =	sst s2  }
0x7: {  	s0 =	rddreg [dreg:$0x2];
	_ =	strace $0x80000047  }
0x8: {  	s4 =	srdreg.scid  }
0x9: {  	s31 =	sshll.u32 s1, $0x1;
	s10 =	sand.u32 $0x1, s4  }
0xa: {  	s6 =	sor.u32 s10, s31  }
0xb: {  	s4 =	sshll.u32 s6, $0x8  }
0xc: {  	s4 =	sadd.s32 s3, s4;
	s3 =	simm.s32 $0x1  }
0xd: {  	[tilespmem:s2], [sflag:$0x1] =	stream.linear.gather [hbm4b:s4+s2], $0x800, $0x38;
	[tilespmem:$0xA00] =	vst v63  }
0xe: {  	_ =	swait.ge [sflag:s3], $0x800  }
0xf: {  	[sflag:s3] =	ssyncset.done $0x0  }
0x10: {  	[sflag:s3] =	ssyncadd.s32 $0xFFFFF800  }
0x11: {  	v1 =	vld [tilespmem:$0x0]  }
0x12: {  	v2 =	vld [tilespmem:$0x80];
	_ =	sdelay $0x1  }
0x13: {  	v3 =	vld [tilespmem:$0x100];
	_ =	sdelay $0x1  }
0x14: {  	v4 =	vld [tilespmem:$0x180]  }
0x15: {  	vm0 =	vgt.f32 v2, v1  }
0x16: {  	v5 =	vld [tilespmem:$0x200];
	v0 =	vsel vm0, v2, v1  }
0x17: {  	vm1 =	vgt.f32 v3, v0  }
0x18: {  	v6 =	vld [tilespmem:$0x280];
	v0 =	vsel vm1, v3, v0  }
0x19: {  	vm2 =	vgt.f32 v4, v0  }
0x1a: {  	v7 =	vld [tilespmem:$0x300];
	v0 =	vsel vm2, v4, v0  }
0x1b: {  	vm3 =	vgt.f32 v5, v0  }
0x1c: {  	v8 =	vld [tilespmem:$0x380];
	v0 =	vsel vm3, v5, v0  }
0x1d: {  	vm4 =	vgt.f32 v6, v0  }
0x1e: {  	v9 =	vld [tilespmem:$0x400];
	v0 =	vsel vm4, v6, v0  }
0x1f: {  	vm5 =	vgt.f32 v7, v0  }
0x20: {  	v10 =	vld [tilespmem:$0x480];
	v0 =	vsel vm5, v7, v0  }
0x21: {  	vm6 =	vgt.f32 v8, v0  }
0x22: {  	v11 =	vld [tilespmem:$0x500];
	v12 =	vsel vm6, v8, v0  }
0x23: {  	v0 =	vimm.s32 $0x0;
	vm7 =	vgt.f32 v9, v12  }
0x24: {  	v13 =	vld [tilespmem:$0x580];
	v14 =	vsel vm0, $0x1, v0;
	v12 =	vsel vm7, v9, v12  }
0x25: {  	v14 =	vsel vm1, $0x2, v14;
	vm12 =	vgt.f32 v10, v12  }
0x26: {  	v15 =	vld [tilespmem:$0x600];
	v14 =	vsel vm2, $0x3, v14;
	v12 =	vsel vm12, v10, v12  }
0x27: {  	v14 =	vsel vm3, $0x4, v14;
	vm13 =	vgt.f32 v11, v12  }
0x28: {  	v16 =	vld [tilespmem:$0x680];
	v14 =	vsel vm4, $0x5, v14;
	v12 =	vsel vm13, v11, v12  }
0x29: {  	v14 =	vsel vm5, $0x6, v14;
	vm14 =	vgt.f32 v13, v12  }
0x2a: {  	v17 =	vld [tilespmem:$0x700];
	v14 =	vsel vm6, $0x7, v14;
	v12 =	vsel vm14, v13, v12  }
0x2b: {  	v14 =	vsel vm7, $0x8, v14;
	vm15 =	vgt.f32 v15, v12  }
0x2c: {  	v18 =	vld [tilespmem:$0x780];
	v14 =	vsel vm12, $0x9, v14;
	v12 =	vsel vm15, v15, v12  }
0x2d: {  	v14 =	vsel vm13, $0xA, v14;
	vm6 =	vgt.f32 v16, v12  }
0x2e: {  	v14 =	vsel vm14, $0xB, v14;
	v12 =	vsel vm6, v16, v12  }
0x2f: {  	v14 =	vsel vm15, $0xC, v14;
	vm7 =	vgt.f32 v17, v12  }
0x30: {  	v14 =	vsel vm6, $0xD, v14;
	v12 =	vsel vm7, v17, v12  }
0x31: {  	v14 =	vsel vm7, $0xE, v14;
	vm0 =	vgt.f32 v18, v12  }
0x32: {  	v14 =	vsel vm0, $0xF, v14  }
0x33: {  	vm8 =	veq.s32 v14, $0x0;
	vm9 =	veq.s32 v14, $0x1  }
0x34: {  	v1 =	vsel vm8, $0xF149F2CA, v1;
	v2 =	vsel vm9, $0xF149F2CA, v2  }
0x35: {  	vm10 =	veq.s32 v14, $0x2;
	vm1 =	vgt.f32 v2, v1  }
0x36: {  	v1 =	vsel vm1, v2, v1;
	v2 =	vsel vm10, $0xF149F2CA, v3  }
0x37: {  	vm11 =	veq.s32 v14, $0x3;
	vm2 =	vgt.f32 v2, v1  }
0x38: {  	v3 =	vsel vm11, $0xF149F2CA, v4;
	v1 =	vsel vm2, v2, v1  }
0x39: {  	vm12 =	veq.s32 v14, $0x4;
	vm3 =	vgt.f32 v3, v1  }
0x3a: {  	v2 =	vsel vm12, $0xF149F2CA, v5;
	v1 =	vsel vm3, v3, v1  }
0x3b: {  	vm13 =	veq.s32 v14, $0x5;
	vm4 =	vgt.f32 v2, v1  }
0x3c: {  	v3 =	vsel vm13, $0xF149F2CA, v6;
	v1 =	vsel vm4, v2, v1  }
0x3d: {  	vm14 =	veq.s32 v14, $0x6;
	vm5 =	vgt.f32 v3, v1  }
0x3e: {  	v2 =	vsel vm14, $0xF149F2CA, v7;
	v1 =	vsel vm5, v3, v1  }
0x3f: {  	vm15 =	veq.s32 v14, $0x7;
	vm6 =	vgt.f32 v2, v1  }
0x40: {  	v3 =	vsel vm15, $0xF149F2CA, v8;
	v1 =	vsel vm6, v2, v1  }
0x41: {  	vm8 =	veq.s32 v14, $0x8;
	vm7 =	vgt.f32 v3, v1  }
0x42: {  	v2 =	vsel vm8, $0xF149F2CA, v9;
	v1 =	vsel vm7, v3, v1  }
0x43: {  	vm9 =	veq.s32 v14, $0x9;
	vm8 =	vgt.f32 v2, v1  }
0x44: {  	v3 =	vsel vm9, $0xF149F2CA, v10;
	v1 =	vsel vm8, v2, v1  }
0x45: {  	vm10 =	veq.s32 v14, $0xA;
	vm9 =	vgt.f32 v3, v1  }
0x46: {  	v2 =	vsel vm10, $0xF149F2CA, v11;
	v1 =	vsel vm9, v3, v1  }
0x47: {  	vm11 =	veq.s32 v14, $0xB;
	vm10 =	vgt.f32 v2, v1  }
0x48: {  	v3 =	vsel vm11, $0xF149F2CA, v13;
	v1 =	vsel vm10, v2, v1  }
0x49: {  	vm12 =	veq.s32 v14, $0xC;
	vm11 =	vgt.f32 v3, v1  }
0x4a: {  	v2 =	vsel vm12, $0xF149F2CA, v15;
	v1 =	vsel vm11, v3, v1  }
0x4b: {  	vm12 =	veq.s32 v14, $0xD;
	vm13 =	vgt.f32 v2, v1  }
0x4c: {  	v3 =	vsel vm12, $0xF149F2CA, v16;
	v1 =	vsel vm13, v2, v1  }
0x4d: {  	vm12 =	veq.s32 v14, $0xE;
	vm14 =	vgt.f32 v3, v1  }
0x4e: {  	v2 =	vsel vm12, $0xF149F2CA, v17;
	v1 =	vsel vm14, v3, v1  }
0x4f: {  	vm12 =	veq.s32 v14, $0xF;
	vm15 =	vgt.f32 v2, v1  }
0x50: {  	v3 =	vsel vm12, $0xF149F2CA, v18;
	v1 =	vsel vm15, v2, v1  }
0x51: {  	vm12 =	vgt.f32 v3, v1  }
0x52: {  	v2 =	vsel vm0, v18, v12;
	v1 =	vsel vm12, v3, v1  }
0x53: {  	v1 =	vsub.f32 v1, v2;
	_ =	sdelay $0x1  }
0x54: {  	v1 =	vmul.f32 $1.442695020e+00, v1;
	_ =	sdelay $0x1  }
0x55: {  	(erf) = vpow2.f32 v1;
	_ =	sdelay $0x6  }
0x56: {  	v1 =	vsel vm1, $0x1, v0  }
0x57: {  	v1 =	vsel vm2, $0x2, v1  }
0x58: {  	v1 =	vsel vm3, $0x3, v1;
	v2 =	vpop (erf)  }
0x59: {  	v1 =	vsel vm4, $0x4, v1;
	v3 =	vadd.f32 $1.000000000e+00, v2  }
0x5a: {  	v1 =	vsel vm5, $0x5, v1  }
0x5b: {  	v1 =	vsel vm6, $0x6, v1;
	(erf) = vrcp.f32 v3  }
0x5c: {  	v1 =	vsel vm7, $0x7, v1  }
0x5d: {  	v1 =	vsel vm8, $0x8, v1  }
0x5e: {  	v1 =	vsel vm9, $0x9, v1  }
0x5f: {  	v1 =	vsel vm10, $0xA, v1  }
0x60: {  	v1 =	vsel vm11, $0xB, v1  }
0x61: {  	v1 =	vsel vm13, $0xC, v1  }
0x62: {  	v1 =	vsel vm14, $0xD, v1  }
0x63: {  	v1 =	vsel vm15, $0xE, v1  }
0x64: {  	[tilespmem:$0x800] =	vst v14;
	v1 =	vsel vm12, $0xF, v1;
	v3 =	vpop (erf)  }
0x65: {  	s6 =	sshll.u32 s6, $0x1;
	[tilespmem:$0x880] =	vst v1;
	v1 =	vmul.f32 v3, v2  }
0x66: {  	s11 =	sadd.s32 s6, s5;
	[tilespmem:$0x900] =	vst v3  }
0x67: {  	s6 =	simm.s32 $0x800;
	s5 =	sadd.s32 $0x1E00, s11;
	[tilespmem:$0x980] =	vst v1  }
0x68: {  	[hbm4b:s5+s2] =	stream.linear.scatter [tilespmem:s6], [sflag:$0x1], $0x10, $0x38;
	[tilespmem:$0xA00] =	vst v63  }
0x69: {  	_ =	swait.ge [sflag:s3], $0x10  }
0x6a: {  	s8 =	simm.s32 $0x880;
	s12 =	ssub.s32 $0x2, s10;
	[sflag:s3] =	ssyncset.done $0x0  }
0x6b: {  	s13 =	sshrl.u32 s12, $0x1;
	s7 =	sadd.s32 $0x1C00, s11;
	[sflag:s3] =	ssyncadd.s32 $0xFFFFFFF0  }
0x6c: {  	[hbm4b:s7+s2] =	stream.linear.scatter [tilespmem:s8], [sflag:$0x1], $0x10, $0x38;
	[tilespmem:$0xA00] =	vst v63  }
0x6d: {  	s12 =	ssub.s32 s12, s13;
	_ =	swait.ge [sflag:s3], $0x10  }
0x6e: {  	s10 =	simm.s32 $0x900;
	s13 =	smax.u32 s12, $0x1;
	[sflag:s3] =	ssyncset.done $0x0  }
0x6f: {  	s9 =	sadd.s32 $0x2000, s11;
	p0 =	sne.s32 s13, $0x1;
	[sflag:s3] =	ssyncadd.s32 $0xFFFFFFF0  }
0x70: {  	[hbm4b:s9+s2] =	stream.linear.scatter [tilespmem:s10], [sflag:$0x1], $0x10, $0x38;
	[tilespmem:$0xA00] =	vst v63  }
.Ltmp1:
0x71: {  	_ =	swait.ge [sflag:s3], $0x10;
	(pc) =	sbr.rel @!p0 .LBB2_3-.Ltmp1, $4  }
0x72: {  	[sflag:s3] =	ssyncset.done $0x0  }
0x73: {  	s11 =	sadd.s32 $0x2200, s11;
	s12 =	simm.s32 $0x980;
	[sflag:s3] =	ssyncadd.s32 $0xFFFFFFF0  }
0x74: {  	[hbm4b:s11+s2] =	stream.linear.scatter [tilespmem:s12], [sflag:$0x1], $0x10, $0x38;
	[tilespmem:$0xA00] =	vst v63  }
0x75: {  	s13 =	sadd.s32 $0xFFFFFFFF, s13;
	_ =	swait.ge [sflag:s3], $0x10  }
.LBB2_2:
0x76: {  	p0 =	sne.s32 s13, $0x1;
	s13 =	sadd.s32 $0xFFFFFFFF, s13;
	[sflag:s3] =	ssyncset.done $0x0  }
0x77: {  	[sflag:s3] =	ssyncadd.s32 $0xFFFFFFF0  }
0x78: {  	[tilespmem:s2], [sflag:$0x1] =	stream.linear.gather [hbm4b:s4+s2], $0x800, $0x38;
	[tilespmem:$0xA00] =	vst v63  }
0x79: {  	_ =	swait.ge [sflag:s3], $0x800  }
0x7a: {  	[sflag:s3] =	ssyncset.done $0x0  }
0x7b: {  	[sflag:s3] =	ssyncadd.s32 $0xFFFFF800  }
0x7c: {  	v1 =	vld [tilespmem:$0x0]  }
0x7d: {  	v2 =	vld [tilespmem:$0x80]  }
0x7e: {  	v3 =	vld [tilespmem:$0x100];
	_ =	sdelay $0x1  }
0x7f: {  	v4 =	vld [tilespmem:$0x180];
	_ =	sdelay $0x1  }
0x80: {  	v5 =	vld [tilespmem:$0x200];
	vm0 =	vgt.f32 v2, v1  }
0x81: {  	v6 =	vsel vm0, v2, v1  }
0x82: {  	v7 =	vld [tilespmem:$0x280];
	vm1 =	vgt.f32 v3, v6  }
0x83: {  	v6 =	vsel vm1, v3, v6  }
0x84: {  	v8 =	vld [tilespmem:$0x300];
	vm2 =	vgt.f32 v4, v6  }
0x85: {  	v6 =	vsel vm2, v4, v6  }
0x86: {  	v9 =	vld [tilespmem:$0x380];
	vm3 =	vgt.f32 v5, v6  }
0x87: {  	v6 =	vsel vm3, v5, v6  }
0x88: {  	v10 =	vld [tilespmem:$0x400];
	vm4 =	vgt.f32 v7, v6  }
0x89: {  	v6 =	vsel vm4, v7, v6  }
0x8a: {  	v11 =	vld [tilespmem:$0x480];
	vm5 =	vgt.f32 v8, v6  }
0x8b: {  	v6 =	vsel vm5, v8, v6  }
0x8c: {  	v12 =	vld [tilespmem:$0x500];
	vm6 =	vgt.f32 v9, v6  }
0x8d: {  	v6 =	vsel vm6, v9, v6  }
0x8e: {  	v14 =	vsel vm0, $0x1, v0;
	v13 =	vld [tilespmem:$0x580];
	vm0 =	vgt.f32 v10, v6  }
0x8f: {  	v14 =	vsel vm1, $0x2, v14;
	v6 =	vsel vm0, v10, v6  }
0x90: {  	v14 =	vsel vm2, $0x3, v14;
	v15 =	vld [tilespmem:$0x600];
	vm1 =	vgt.f32 v11, v6  }
0x91: {  	v14 =	vsel vm3, $0x4, v14;
	v6 =	vsel vm1, v11, v6  }
0x92: {  	v14 =	vsel vm4, $0x5, v14;
	v16 =	vld [tilespmem:$0x680];
	vm2 =	vgt.f32 v12, v6  }
0x93: {  	v14 =	vsel vm5, $0x6, v14;
	v6 =	vsel vm2, v12, v6  }
0x94: {  	v14 =	vsel vm6, $0x7, v14;
	v17 =	vld [tilespmem:$0x700];
	vm3 =	vgt.f32 v13, v6  }
0x95: {  	v14 =	vsel vm0, $0x8, v14;
	v6 =	vsel vm3, v13, v6  }
0x96: {  	v14 =	vsel vm1, $0x9, v14;
	vm0 =	vgt.f32 v15, v6  }
0x97: {  	v14 =	vsel vm2, $0xA, v14;
	v18 =	vld [tilespmem:$0x780];
	v6 =	vsel vm0, v15, v6  }
0x98: {  	v14 =	vsel vm3, $0xB, v14;
	vm1 =	vgt.f32 v16, v6  }
0x99: {  	v14 =	vsel vm0, $0xC, v14;
	v6 =	vsel vm1, v16, v6  }
0x9a: {  	v14 =	vsel vm1, $0xD, v14;
	vm0 =	vgt.f32 v17, v6  }
0x9b: {  	v6 =	vsel vm0, v17, v6;
	v14 =	vsel vm0, $0xE, v14  }
0x9c: {  	vm0 =	vgt.f32 v18, v6  }
0x9d: {  	v6 =	vsel vm0, v18, v6;
	v14 =	vsel vm0, $0xF, v14  }
0x9e: {  	vm0 =	veq.s32 v14, $0x0;
	vm1 =	veq.s32 v14, $0x1;
	vm2 =	veq.s32 v14, $0x4;
	[tilespmem:$0x800] =	vst v14  }
0x9f: {  	v1 =	vsel vm0, $0xF149F2CA, v1;
	v2 =	vsel vm1, $0xF149F2CA, v2;
	vm0 =	veq.s32 v14, $0x3  }
0xa0: {  	vm1 =	veq.s32 v14, $0x2;
	vm5 =	vgt.f32 v2, v1  }
0xa1: {  	v1 =	vsel vm5, v2, v1;
	v2 =	vsel vm1, $0xF149F2CA, v3;
	vm1 =	veq.s32 v14, $0x5  }
0xa2: {  	vm8 =	veq.s32 v14, $0x7;
	v3 =	vsel vm0, $0xF149F2CA, v4;
	vm7 =	vgt.f32 v2, v1  }
0xa3: {  	vm6 =	veq.s32 v14, $0x8;
	v1 =	vsel vm7, v2, v1  }
0xa4: {  	vm4 =	veq.s32 v14, $0xA;
	v2 =	vsel vm2, $0xF149F2CA, v5;
	vm9 =	vgt.f32 v3, v1  }
0xa5: {  	vm10 =	veq.s32 v14, $0x6;
	vm3 =	veq.s32 v14, $0xB;
	v1 =	vsel vm9, v3, v1  }
0xa6: {  	vm2 =	veq.s32 v14, $0xD;
	v3 =	vsel vm1, $0xF149F2CA, v7;
	vm11 =	vgt.f32 v2, v1  }
0xa7: {  	vm0 =	veq.s32 v14, $0xF;
	vm1 =	veq.s32 v14, $0xE;
	v1 =	vsel vm11, v2, v1  }
0xa8: {  	v2 =	vsel vm10, $0xF149F2CA, v8;
	vm12 =	vgt.f32 v3, v1  }
0xa9: {  	v4 =	vsel vm5, $0x1, v0;
	v1 =	vsel vm12, v3, v1  }
0xaa: {  	v3 =	vsel vm7, $0x2, v4;
	v4 =	vsel vm8, $0xF149F2CA, v9;
	vm5 =	vgt.f32 v2, v1  }
0xab: {  	v3 =	vsel vm9, $0x3, v3;
	v1 =	vsel vm5, v2, v1  }
0xac: {  	v2 =	vsel vm11, $0x4, v3;
	v3 =	vsel vm6, $0xF149F2CA, v10;
	vm7 =	vgt.f32 v4, v1  }
0xad: {  	vm6 =	veq.s32 v14, $0x9;
	v2 =	vsel vm12, $0x5, v2;
	v1 =	vsel vm7, v4, v1  }
0xae: {  	v2 =	vsel vm5, $0x6, v2;
	v4 =	vsel vm6, $0xF149F2CA, v11;
	vm5 =	vgt.f32 v3, v1  }
0xaf: {  	v2 =	vsel vm7, $0x7, v2;
	v1 =	vsel vm5, v3, v1  }
0xb0: {  	v2 =	vsel vm5, $0x8, v2;
	v3 =	vsel vm4, $0xF149F2CA, v12;
	vm5 =	vgt.f32 v4, v1  }
0xb1: {  	v1 =	vsel vm5, v4, v1;
	v2 =	vsel vm5, $0x9, v2  }
0xb2: {  	v4 =	vsel vm3, $0xF149F2CA, v13;
	vm4 =	vgt.f32 v3, v1  }
0xb3: {  	vm3 =	veq.s32 v14, $0xC;
	v1 =	vsel vm4, v3, v1;
	v2 =	vsel vm4, $0xA, v2  }
0xb4: {  	v3 =	vsel vm3, $0xF149F2CA, v15;
	vm4 =	vgt.f32 v4, v1  }
0xb5: {  	v1 =	vsel vm4, v4, v1;
	v2 =	vsel vm4, $0xB, v2  }
0xb6: {  	v4 =	vsel vm2, $0xF149F2CA, v16;
	vm3 =	vgt.f32 v3, v1  }
0xb7: {  	v1 =	vsel vm3, v3, v1;
	v2 =	vsel vm3, $0xC, v2  }
0xb8: {  	v3 =	vsel vm1, $0xF149F2CA, v17;
	vm2 =	vgt.f32 v4, v1  }
0xb9: {  	v1 =	vsel vm2, v4, v1  }
0xba: {  	v4 =	vsel vm0, $0xF149F2CA, v18;
	vm1 =	vgt.f32 v3, v1  }
0xbb: {  	v2 =	vsel vm2, $0xD, v2;
	v1 =	vsel vm1, v3, v1  }
0xbc: {  	v2 =	vsel vm1, $0xE, v2;
	vm0 =	vgt.f32 v4, v1  }
0xbd: {  	v1 =	vsel vm0, v4, v1;
	v2 =	vsel vm0, $0xF, v2  }
0xbe: {  	v1 =	vsub.f32 v1, v6;
	[tilespmem:$0x880] =	vst v2;
	_ =	sdelay $0x1  }
0xbf: {  	v1 =	vmul.f32 $1.442695020e+00, v1;
	_ =	sdelay $0x1  }
0xc0: {  	(erf) = vpow2.f32 v1;
	_ =	sdelay $0x8  }
0xc1: {  	v1 =	vpop (erf)  }
0xc2: {  	v2 =	vadd.f32 $1.000000000e+00, v1;
	_ =	sdelay $0x1  }
0xc3: {  	(erf) = vrcp.f32 v2;
	_ =	sdelay $0x8  }
0xc4: {  	v2 =	vpop (erf)  }
0xc5: {  	[tilespmem:$0x900] =	vst v2;
	v1 =	vmul.f32 v2, v1;
	_ =	sdelay $0x1  }
0xc6: {  	[tilespmem:$0x980] =	vst v1  }
0xc7: {  	[hbm4b:s5+s2] =	stream.linear.scatter [tilespmem:s6], [sflag:$0x1], $0x10, $0x38;
	[tilespmem:$0xA00] =	vst v63  }
0xc8: {  	_ =	swait.ge [sflag:s3], $0x10  }
0xc9: {  	[sflag:s3] =	ssyncset.done $0x0  }
0xca: {  	[sflag:s3] =	ssyncadd.s32 $0xFFFFFFF0  }
0xcb: {  	[hbm4b:s7+s2] =	stream.linear.scatter [tilespmem:s8], [sflag:$0x1], $0x10, $0x38;
	[tilespmem:$0xA00] =	vst v63  }
0xcc: {  	_ =	swait.ge [sflag:s3], $0x10  }
0xcd: {  	[sflag:s3] =	ssyncset.done $0x0  }
0xce: {  	[sflag:s3] =	ssyncadd.s32 $0xFFFFFFF0  }
0xcf: {  	[hbm4b:s9+s2] =	stream.linear.scatter [tilespmem:s10], [sflag:$0x1], $0x10, $0x38;
	[tilespmem:$0xA00] =	vst v63  }
.Ltmp2:
0xd0: {  	_ =	swait.ge [sflag:s3], $0x10;
	(pc) =	sbr.rel @p0 .LBB2_2-.Ltmp2, $4  }
0xd1: {  	[sflag:s3] =	ssyncset.done $0x0  }
0xd2: {  	[sflag:s3] =	ssyncadd.s32 $0xFFFFFFF0  }
0xd3: {  	[hbm4b:s11+s2] =	stream.linear.scatter [tilespmem:s12], [sflag:$0x1], $0x10, $0x38;
	[tilespmem:$0xA00] =	vst v63  }
0xd4: {  	_ =	swait.ge [sflag:s3], $0x10  }
.LBB2_3:
0xd5: {  	[sflag:s3] =	ssyncset.done $0x0  }
0xd6: {  	[sflag:s3] =	ssyncadd.s32 $0xFFFFFFF0  }
.LBB2_4:
0xd7: {  	_ =	sfence.sel $0x180000  }
0xd8: {  	[bflag:$0x0] =	sbarrier.arrive $0xFFFF  }
0xd9: {  	p0 =	sne.s32 s1, $0x0;
	_ =	strace $0x90000047  }
0xda: {  	s0 =	sadd.s32 @!p0 $0x100000, s0;
	[bflag:$0x2] =	sbarrier.arrive $0xFFFF  }
0xdb: {  	[sflag:s0] =	ssyncadd.tile.s32 @!p0 $0x1;
	_ =	shalt  }
.Lfunc_end2:
_tile_overlayer_lowered:
.L_overlay_start_2:
0xdc: {  	(tag) =	ssettag $0x2  }
0xdd: {  	s0 =	rddreg [dreg:$0x0];
	s2 =	stileid.u32  }
0xde: {  	s1 =	rddreg [dreg:$0x1];
	p0 =	sne.s32 s2, $0x0  }
0xdf: {  	s3 =	rddreg [dreg:$0x2];
	[bflag:$0x3] =	sbarrier.arrive $0xFFFF;
	s2 =	simm.s32 @!p0 $0x1C01  }
0xe0: {  	[timem:s3], [sflag:s2] =	dma.local @!p0 [hbm:s0], s1  }
0xe1: {  	s0 =	simm.s32 @!p0 $0x1  }
0xe2: {  	_ =	swait.ge @!p0 [sflag:s0], s1  }
0xe3: {  	s1 =	ssub.s32 @!p0 $0x0, s1;
	[sflag:s0] =	ssyncset.done @!p0 $0x0  }
0xe4: {  	[sflag:s0] =	ssyncadd.s32 @!p0 s1  }
0xe5: {  	[bflag:$0x3] =	sbarrier.arrive $0xFFFF  }
0xe6: {  	_ =	shalt  }

</sc_bundles>
